<compile_context>
chip_gen: v7x
topology: tpu7x:2x2x1
jax: 0.10.2.dev20260603
libtpu: 0.0.44.dev20260713+nightly
codegen_flags: <defaults>
</compile_context>

<pallas_src>
import functools

import jax
import jax.numpy as jnp
from jax import lax
from jax.experimental import pallas as pl
from jax.experimental.pallas import tpu as pltpu
from jax.experimental.pallas import tpu_sc as plsc

EMBED_DIM = 256
NUM_CODES = 8192
TOKENS = 16384
COMMIT = 0.25

TILE_T = 256
N_TILES = TOKENS // TILE_T
WT_ROWS = NUM_CODES // N_TILES


def _dist_kernel(x_ref, sx_ref, emb_ref,
                 dist_ref, idx_ref, enc_ref, wt_ref, loss_ref, perp_ref,
                 counts_ref, lacc_ref, se_ref):
    step = pl.program_id(0)

    @pl.when(step == 0)
    def _():
        se_ref[...] = jnp.sum(jnp.square(emb_ref[...]), 0, keepdims=True)

    x = x_ref[...]
    mm = jnp.dot(x, emb_ref[...], preferred_element_type=jnp.float32)
    d = sx_ref[...] - 2.0 * mm + se_ref[...]
    dist_ref[...] = d
    minv = jnp.min(d, axis=1, keepdims=True)
    col = lax.broadcasted_iota(jnp.int32, (TILE_T, NUM_CODES), 1)
    cand = jnp.where(d == minv, col, jnp.int32(NUM_CODES))
    idxv = jnp.min(cand, axis=1, keepdims=True)
    idx_ref[...] = idxv
    onehot = jnp.where(col == idxv, 1.0, 0.0).astype(jnp.float32)
    enc_ref[...] = onehot

    wt_ref[...] = emb_ref[:, pl.ds(step * WT_ROWS, WT_ROWS)].T

    @pl.when(step == 0)
    def _():
        counts_ref[...] = jnp.zeros_like(counts_ref)
        lacc_ref[0] = 0.0

    counts_ref[...] += jnp.sum(onehot, axis=0, keepdims=True)
    lacc_ref[0] += jnp.sum(minv)

    @pl.when(step == N_TILES - 1)
    def _():
        m = lacc_ref[0] / jnp.float32(TOKENS * EMBED_DIM)
        loss_ref[...] = jnp.full((1, 1), m + COMMIT * m, jnp.float32)
        p = counts_ref[...] / jnp.float32(TOKENS)
        ent = jnp.sum(p * jnp.log(p + 1e-10))
        perp_ref[...] = jnp.full((1, 1), jnp.exp(-ent), jnp.float32)


def _distances_call(flat, sx, emb):
    return pl.pallas_call(
        _dist_kernel,
        grid=(N_TILES,),
        in_specs=[
            pl.BlockSpec((TILE_T, EMBED_DIM), lambda i: (i, 0)),
            pl.BlockSpec((TILE_T, 1), lambda i: (i, 0)),
            pl.BlockSpec((EMBED_DIM, NUM_CODES), lambda i: (0, 0)),
        ],
        out_specs=[
            pl.BlockSpec((TILE_T, NUM_CODES), lambda i: (i, 0)),
            pl.BlockSpec((TILE_T, 1), lambda i: (i, 0)),
            pl.BlockSpec((TILE_T, NUM_CODES), lambda i: (i, 0)),
            pl.BlockSpec((WT_ROWS, EMBED_DIM), lambda i: (i, 0)),
            pl.BlockSpec((1, 1), lambda i: (0, 0)),
            pl.BlockSpec((1, 1), lambda i: (0, 0)),
        ],
        out_shape=[
            jax.ShapeDtypeStruct((TOKENS, NUM_CODES), jnp.float32),
            jax.ShapeDtypeStruct((TOKENS, 1), jnp.int32),
            jax.ShapeDtypeStruct((TOKENS, NUM_CODES), jnp.float32),
            jax.ShapeDtypeStruct((NUM_CODES, EMBED_DIM), jnp.float32),
            jax.ShapeDtypeStruct((1, 1), jnp.float32),
            jax.ShapeDtypeStruct((1, 1), jnp.float32),
        ],
        scratch_shapes=[
            pltpu.VMEM((1, NUM_CODES), jnp.float32),
            pltpu.SMEM((1,), jnp.float32),
            pltpu.VMEM((1, NUM_CODES), jnp.float32),
        ],
        compiler_params=pltpu.CompilerParams(
            vmem_limit_bytes=120 * 1024 * 1024,
        ),
    )(flat, sx, emb)



_NW = 32
_B_PER_W = TOKENS // _NW
_CHUNK = 128
_NCH = _B_PER_W // _CHUNK


@functools.cache
def _sc_gather_fn():
    @functools.partial(
        pl.kernel,
        out_type=jax.ShapeDtypeStruct((TOKENS, EMBED_DIM), jnp.float32),
        mesh=plsc.VectorSubcoreMesh(core_axis_name="c", subcore_axis_name="s"),
        scratch_types=[
            pltpu.VMEM((_B_PER_W,), jnp.int32),
            pltpu.VMEM((_CHUNK, EMBED_DIM), jnp.float32),
            pltpu.VMEM((_CHUNK, EMBED_DIM), jnp.float32),
            pltpu.SemaphoreType.DMA,
            pltpu.SemaphoreType.DMA,
            pltpu.SemaphoreType.DMA,
            pltpu.SemaphoreType.DMA,
        ],
    )
    def _sc_gather_kernel(table_hbm, idx_hbm, out_hbm,
                          idx_v, buf0, buf1, gs0, gs1, ss0, ss1):
        wid = lax.axis_index("s") * 2 + lax.axis_index("c")
        base = wid * _B_PER_W
        pltpu.sync_copy(idx_hbm.at[pl.ds(base, _B_PER_W)], idx_v)
        bufs, gsems, ssems = (buf0, buf1), (gs0, gs1), (ss0, ss1)
        gh = [None] * _NCH
        sh = [None] * _NCH
        gh[0] = pltpu.async_copy(
            table_hbm.at[idx_v.at[pl.ds(0, _CHUNK)]], bufs[0], gsems[0])
        for j in range(_NCH):
            b = j % 2
            gh[j].wait()
            if j + 1 < _NCH:
                nb = (j + 1) % 2
                if j >= 1:
                    sh[j - 1].wait()
                gh[j + 1] = pltpu.async_copy(
                    table_hbm.at[idx_v.at[pl.ds((j + 1) * _CHUNK, _CHUNK)]],
                    bufs[nb], gsems[nb])
            sh[j] = pltpu.async_copy(
                bufs[b], out_hbm.at[pl.ds(base + j * _CHUNK, _CHUNK)], ssems[b])
        sh[_NCH - 2].wait()
        sh[_NCH - 1].wait()

    return _sc_gather_kernel


def _sc_gather(table, idx):
    return _sc_gather_fn()(table, idx)


def kernel(inputs, embeddings, is_training=True):
    flat = jnp.reshape(inputs, (-1, EMBED_DIM))
    sx = jnp.sum(jnp.square(flat), 1, keepdims=True)
    dist, idx, enc, wt, loss, perp = _distances_call(flat, sx, embeddings)
    q = _sc_gather(wt, jnp.reshape(idx, (TOKENS,)))
    quantized = jnp.reshape(q, inputs.shape)
    encoding_indices = jnp.reshape(idx, inputs.shape[:-1])
    return (quantized, jnp.reshape(loss, ()), jnp.reshape(perp, ()),
            enc, encoding_indices, dist)

# --- scband reference (transcript-rebuilt; emitter-appended) ---
"""Pipeline reference for scband-vector-quantizer-30013231464711 (READ-ONLY COPY).

The authoritative reference and input builder live on the scoring server;
editing this copy changes nothing except your own understanding.
"""

import jax, jax.numpy as jnp
import numpy as np

EMBEDDING_DIM = 256
NUM_EMBEDDINGS = 8192
COMMITMENT_COST = 0.25


def setup_inputs(seed: int = 0) -> dict:
    key = jax.random.key(seed)
    k1, k2 = jax.random.split(key)
    inputs = jax.random.normal(k1, (16, 1024, 256), dtype=jnp.float32)
    # haiku VarianceScaling(distribution='uniform'), scale=1.0, mode='fan_in'
    # embeddings shape is [embedding_dim, num_embeddings]; fan_in = embedding_dim
    limit = float(np.sqrt(3.0 / EMBEDDING_DIM))
    embeddings = jax.random.uniform(k2, (EMBEDDING_DIM, NUM_EMBEDDINGS), dtype=jnp.float32, minval=-limit, maxval=limit)
    return {"inputs": inputs, "embeddings": embeddings, "is_training": True}


def reference(inputs, embeddings, is_training=True):
    embedding_dim = EMBEDDING_DIM
    num_embeddings = NUM_EMBEDDINGS
    commitment_cost = COMMITMENT_COST

    flat_inputs = jnp.reshape(inputs, [-1, embedding_dim])
    distances = (
        jnp.sum(jnp.square(flat_inputs), 1, keepdims=True)
        - 2 * jnp.matmul(flat_inputs, embeddings)
        + jnp.sum(jnp.square(embeddings), 0, keepdims=True)
    )
    encoding_indices = jnp.argmax(-distances, 1)
    encodings = jax.nn.one_hot(encoding_indices, num_embeddings, dtype=distances.dtype)
    encoding_indices = jnp.reshape(encoding_indices, inputs.shape[:-1])

    # quantize: gather rows of embeddings.T
    w = embeddings.swapaxes(1, 0)
    quantized = w[encoding_indices,]

    e_latent_loss = jnp.mean(jnp.square(jax.lax.stop_gradient(quantized) - inputs))
    q_latent_loss = jnp.mean(jnp.square(quantized - jax.lax.stop_gradient(inputs)))
    loss = q_latent_loss + commitment_cost * e_latent_loss

    quantized = inputs + jax.lax.stop_gradient(quantized - inputs)
    avg_probs = jnp.mean(encodings, 0)
    perplexity = jnp.exp(-jnp.sum(avg_probs * jnp.log(avg_probs + 1e-10)))

    return (quantized, loss, perplexity, encodings, encoding_indices, distances)

if __name__ == "__main__":
    import jax
    _d = setup_inputs()
    print(jax.jit(kernel)(*tuple(_d.values())))

</pallas_src>

<mosaic_0001>
#map = affine_map<(d0, d1) -> (0, 0)>
#map1 = affine_map<(d0, d1) -> (0)>
module attributes {stable_mosaic.version = 14 : i64} {
  func.func @_sc_gather_kernel(%arg0: i32, %arg1: i32, %arg2: memref<8192x256xf32, #tpu.memory_space<hbm>>, %arg3: memref<16384xi32, #tpu.memory_space<hbm>>, %arg4: memref<16384x256xf32, #tpu.memory_space<hbm>>, %arg5: memref<512xi32, #tpu.memory_space<vmem>>, %arg6: memref<128x256xf32, #tpu.memory_space<vmem>>, %arg7: memref<128x256xf32, #tpu.memory_space<vmem>>, %arg8: memref<!tpu.dma_semaphore, #tpu.memory_space<semaphore_mem>>, %arg9: memref<!tpu.dma_semaphore, #tpu.memory_space<semaphore_mem>>, %arg10: memref<!tpu.dma_semaphore, #tpu.memory_space<semaphore_mem>>, %arg11: memref<!tpu.dma_semaphore, #tpu.memory_space<semaphore_mem>>) attributes {dimension_semantics = [#tpu.dimension_semantics<core_parallel>, #tpu.dimension_semantics<subcore_parallel>], iteration_bounds = array<i64: 2, 16>, scalar_prefetch = 0 : i64, scratch_operands = 7 : i64, tpu.core_type = #tpu.core_type<sc_vector_subcore>, window_params = [{transform_indices = #map}, {transform_indices = #map1}, {transform_indices = #map}]} {
    %mul3A = arith.constant 2 : i32
    %mul3A_0 = arith.muli %arg1, %mul3A : i32
    %add3A = arith.addi %mul3A_0, %arg0 : i32
    %mul3A_1 = arith.constant 512 : i32
    %mul3A_2 = arith.muli %add3A, %mul3A_1 : i32
    "tpu.region"() ({
      %run_scoped3A = tpu.sem_alloc : memref<!tpu.dma_semaphore, #tpu.memory_space<semaphore_mem>>
      %dma_start3A_81 = tpu.memref_slice %arg3[%mul3A_2] : memref<16384xi32, #tpu.memory_space<hbm>> -> memref<512xi32, #tpu.memory_space<hbm>>
      %dma_start3A_82 = tpu.memref_slice %arg3[%mul3A_2] : memref<16384xi32, #tpu.memory_space<hbm>> -> memref<512xi32, #tpu.memory_space<hbm>>
      tpu.enqueue_dma source(%dma_start3A_82 : memref<512xi32, #tpu.memory_space<hbm>>) target(%arg5 : memref<512xi32, #tpu.memory_space<vmem>>) target_semaphore(%run_scoped3A : memref<!tpu.dma_semaphore, #tpu.memory_space<semaphore_mem>>)
      %dma_wait3A_83 = tpu.memref_slice %arg3[%mul3A_2] : memref<16384xi32, #tpu.memory_space<hbm>> -> memref<512xi32, #tpu.memory_space<hbm>>
      %dma_wait3A_84 = tpu.memref_slice %arg3[%mul3A_2] : memref<16384xi32, #tpu.memory_space<hbm>> -> memref<512xi32, #tpu.memory_space<hbm>>
      tpu.wait_dma2 semaphore(%run_scoped3A : memref<!tpu.dma_semaphore, #tpu.memory_space<semaphore_mem>>) src(%dma_wait3A_84 : memref<512xi32, #tpu.memory_space<hbm>>) dst(%arg5 : memref<512xi32, #tpu.memory_space<vmem>>)
      tpu.yield
    }) : () -> ()
    %dma_start3A = arith.constant 0 : i32
    %dma_start3A_3 = tpu.memref_slice %arg5[%dma_start3A] : memref<512xi32, #tpu.memory_space<vmem>> -> memref<128xi32, #tpu.memory_space<vmem>>
    %dma_start3A_4 = arith.constant 0 : i32
    %dma_start3A_5 = arith.constant 0 : i32
    %dma_start3A_6 = tpu.memref_slice %arg2[%dma_start3A_4, %dma_start3A_5] : memref<8192x256xf32, #tpu.memory_space<hbm>> -> memref<8192x256xf32, #tpu.memory_space<hbm>>
    tpu.enqueue_indirect_dma source(%dma_start3A_6 : memref<8192x256xf32, #tpu.memory_space<hbm>>) target(%arg6 : memref<128x256xf32, #tpu.memory_space<vmem>>) offsets(%dma_start3A_3 : memref<128xi32, #tpu.memory_space<vmem>>) semaphore(%arg8 : memref<!tpu.dma_semaphore, #tpu.memory_space<semaphore_mem>>)
    %dma_wait3A = arith.constant 0 : i32
    %dma_wait3A_7 = tpu.memref_slice %arg5[%dma_wait3A] : memref<512xi32, #tpu.memory_space<vmem>> -> memref<128xi32, #tpu.memory_space<vmem>>
    %dma_wait3A_8 = arith.constant 0 : i32
    %dma_wait3A_9 = arith.constant 0 : i32
    %dma_wait3A_10 = tpu.memref_slice %arg2[%dma_wait3A_8, %dma_wait3A_9] : memref<8192x256xf32, #tpu.memory_space<hbm>> -> memref<8192x256xf32, #tpu.memory_space<hbm>>
    tpu.wait_indirect_dma semaphore(%arg8 : memref<!tpu.dma_semaphore, #tpu.memory_space<semaphore_mem>>) src(%dma_wait3A_10 : memref<8192x256xf32, #tpu.memory_space<hbm>>) dst(%arg6 : memref<128x256xf32, #tpu.memory_space<vmem>>)
    %dma_start3A_11 = arith.constant 128 : i32
    %dma_start3A_12 = tpu.memref_slice %arg5[%dma_start3A_11] : memref<512xi32, #tpu.memory_space<vmem>> -> memref<128xi32, #tpu.memory_space<vmem>>
    %dma_start3A_13 = arith.constant 0 : i32
    %dma_start3A_14 = arith.constant 0 : i32
    %dma_start3A_15 = tpu.memref_slice %arg2[%dma_start3A_13, %dma_start3A_14] : memref<8192x256xf32, #tpu.memory_space<hbm>> -> memref<8192x256xf32, #tpu.memory_space<hbm>>
    tpu.enqueue_indirect_dma source(%dma_start3A_15 : memref<8192x256xf32, #tpu.memory_space<hbm>>) target(%arg7 : memref<128x256xf32, #tpu.memory_space<vmem>>) offsets(%dma_start3A_12 : memref<128xi32, #tpu.memory_space<vmem>>) semaphore(%arg9 : memref<!tpu.dma_semaphore, #tpu.memory_space<semaphore_mem>>)
    %add3A_16 = arith.constant 0 : i32
    %add3A_17 = arith.addi %mul3A_2, %add3A_16 : i32
    %dma_start3A_18 = arith.constant 0 : i32
    %dma_start3A_19 = tpu.memref_slice %arg4[%add3A_17, %dma_start3A_18] : memref<16384x256xf32, #tpu.memory_space<hbm>> -> memref<128x256xf32, #tpu.memory_space<hbm>>
    %dma_start3A_20 = arith.constant 0 : i32
    %dma_start3A_21 = tpu.memref_slice %arg4[%add3A_17, %dma_start3A_20] : memref<16384x256xf32, #tpu.memory_space<hbm>> -> memref<128x256xf32, #tpu.memory_space<hbm>>
    tpu.enqueue_dma source(%arg6 : memref<128x256xf32, #tpu.memory_space<vmem>>) target(%dma_start3A_21 : memref<128x256xf32, #tpu.memory_space<hbm>>) target_semaphore(%arg10 : memref<!tpu.dma_semaphore, #tpu.memory_space<semaphore_mem>>)
    %dma_wait3A_22 = arith.constant 128 : i32
    %dma_wait3A_23 = tpu.memref_slice %arg5[%dma_wait3A_22] : memref<512xi32, #tpu.memory_space<vmem>> -> memref<128xi32, #tpu.memory_space<vmem>>
    %dma_wait3A_24 = arith.constant 0 : i32
    %dma_wait3A_25 = arith.constant 0 : i32
    %dma_wait3A_26 = tpu.memref_slice %arg2[%dma_wait3A_24, %dma_wait3A_25] : memref<8192x256xf32, #tpu.memory_space<hbm>> -> memref<8192x256xf32, #tpu.memory_space<hbm>>
    tpu.wait_indirect_dma semaphore(%arg9 : memref<!tpu.dma_semaphore, #tpu.memory_space<semaphore_mem>>) src(%dma_wait3A_26 : memref<8192x256xf32, #tpu.memory_space<hbm>>) dst(%arg7 : memref<128x256xf32, #tpu.memory_space<vmem>>)
    %dma_wait3A_27 = arith.constant 0 : i32
    %dma_wait3A_28 = tpu.memref_slice %arg4[%add3A_17, %dma_wait3A_27] : memref<16384x256xf32, #tpu.memory_space<hbm>> -> memref<128x256xf32, #tpu.memory_space<hbm>>
    %dma_wait3A_29 = arith.constant 0 : i32
    %dma_wait3A_30 = tpu.memref_slice %arg4[%add3A_17, %dma_wait3A_29] : memref<16384x256xf32, #tpu.memory_space<hbm>> -> memref<128x256xf32, #tpu.memory_space<hbm>>
    tpu.wait_dma2 semaphore(%arg10 : memref<!tpu.dma_semaphore, #tpu.memory_space<semaphore_mem>>) src(%arg6 : memref<128x256xf32, #tpu.memory_space<vmem>>) dst(%dma_wait3A_30 : memref<128x256xf32, #tpu.memory_space<hbm>>)
    %dma_start3A_31 = arith.constant 256 : i32
    %dma_start3A_32 = tpu.memref_slice %arg5[%dma_start3A_31] : memref<512xi32, #tpu.memory_space<vmem>> -> memref<128xi32, #tpu.memory_space<vmem>>
    %dma_start3A_33 = arith.constant 0 : i32
    %dma_start3A_34 = arith.constant 0 : i32
    %dma_start3A_35 = tpu.memref_slice %arg2[%dma_start3A_33, %dma_start3A_34] : memref<8192x256xf32, #tpu.memory_space<hbm>> -> memref<8192x256xf32, #tpu.memory_space<hbm>>
    tpu.enqueue_indirect_dma source(%dma_start3A_35 : memref<8192x256xf32, #tpu.memory_space<hbm>>) target(%arg6 : memref<128x256xf32, #tpu.memory_space<vmem>>) offsets(%dma_start3A_32 : memref<128xi32, #tpu.memory_space<vmem>>) semaphore(%arg8 : memref<!tpu.dma_semaphore, #tpu.memory_space<semaphore_mem>>)
    %add3A_36 = arith.constant 128 : i32
    %add3A_37 = arith.addi %mul3A_2, %add3A_36 : i32
    %dma_start3A_38 = arith.constant 0 : i32
    %dma_start3A_39 = tpu.memref_slice %arg4[%add3A_37, %dma_start3A_38] : memref<16384x256xf32, #tpu.memory_space<hbm>> -> memref<128x256xf32, #tpu.memory_space<hbm>>
    %dma_start3A_40 = arith.constant 0 : i32
    %dma_start3A_41 = tpu.memref_slice %arg4[%add3A_37, %dma_start3A_40] : memref<16384x256xf32, #tpu.memory_space<hbm>> -> memref<128x256xf32, #tpu.memory_space<hbm>>
    tpu.enqueue_dma source(%arg7 : memref<128x256xf32, #tpu.memory_space<vmem>>) target(%dma_start3A_41 : memref<128x256xf32, #tpu.memory_space<hbm>>) target_semaphore(%arg11 : memref<!tpu.dma_semaphore, #tpu.memory_space<semaphore_mem>>)
    %dma_wait3A_42 = arith.constant 256 : i32
    %dma_wait3A_43 = tpu.memref_slice %arg5[%dma_wait3A_42] : memref<512xi32, #tpu.memory_space<vmem>> -> memref<128xi32, #tpu.memory_space<vmem>>
    %dma_wait3A_44 = arith.constant 0 : i32
    %dma_wait3A_45 = arith.constant 0 : i32
    %dma_wait3A_46 = tpu.memref_slice %arg2[%dma_wait3A_44, %dma_wait3A_45] : memref<8192x256xf32, #tpu.memory_space<hbm>> -> memref<8192x256xf32, #tpu.memory_space<hbm>>
    tpu.wait_indirect_dma semaphore(%arg8 : memref<!tpu.dma_semaphore, #tpu.memory_space<semaphore_mem>>) src(%dma_wait3A_46 : memref<8192x256xf32, #tpu.memory_space<hbm>>) dst(%arg6 : memref<128x256xf32, #tpu.memory_space<vmem>>)
    %dma_wait3A_47 = arith.constant 0 : i32
    %dma_wait3A_48 = tpu.memref_slice %arg4[%add3A_37, %dma_wait3A_47] : memref<16384x256xf32, #tpu.memory_space<hbm>> -> memref<128x256xf32, #tpu.memory_space<hbm>>
    %dma_wait3A_49 = arith.constant 0 : i32
    %dma_wait3A_50 = tpu.memref_slice %arg4[%add3A_37, %dma_wait3A_49] : memref<16384x256xf32, #tpu.memory_space<hbm>> -> memref<128x256xf32, #tpu.memory_space<hbm>>
    tpu.wait_dma2 semaphore(%arg11 : memref<!tpu.dma_semaphore, #tpu.memory_space<semaphore_mem>>) src(%arg7 : memref<128x256xf32, #tpu.memory_space<vmem>>) dst(%dma_wait3A_50 : memref<128x256xf32, #tpu.memory_space<hbm>>)
    %dma_start3A_51 = arith.constant 384 : i32
    %dma_start3A_52 = tpu.memref_slice %arg5[%dma_start3A_51] : memref<512xi32, #tpu.memory_space<vmem>> -> memref<128xi32, #tpu.memory_space<vmem>>
    %dma_start3A_53 = arith.constant 0 : i32
    %dma_start3A_54 = arith.constant 0 : i32
    %dma_start3A_55 = tpu.memref_slice %arg2[%dma_start3A_53, %dma_start3A_54] : memref<8192x256xf32, #tpu.memory_space<hbm>> -> memref<8192x256xf32, #tpu.memory_space<hbm>>
    tpu.enqueue_indirect_dma source(%dma_start3A_55 : memref<8192x256xf32, #tpu.memory_space<hbm>>) target(%arg7 : memref<128x256xf32, #tpu.memory_space<vmem>>) offsets(%dma_start3A_52 : memref<128xi32, #tpu.memory_space<vmem>>) semaphore(%arg9 : memref<!tpu.dma_semaphore, #tpu.memory_space<semaphore_mem>>)
    %add3A_56 = arith.constant 256 : i32
    %add3A_57 = arith.addi %mul3A_2, %add3A_56 : i32
    %dma_start3A_58 = arith.constant 0 : i32
    %dma_start3A_59 = tpu.memref_slice %arg4[%add3A_57, %dma_start3A_58] : memref<16384x256xf32, #tpu.memory_space<hbm>> -> memref<128x256xf32, #tpu.memory_space<hbm>>
    %dma_start3A_60 = arith.constant 0 : i32
    %dma_start3A_61 = tpu.memref_slice %arg4[%add3A_57, %dma_start3A_60] : memref<16384x256xf32, #tpu.memory_space<hbm>> -> memref<128x256xf32, #tpu.memory_space<hbm>>
    tpu.enqueue_dma source(%arg6 : memref<128x256xf32, #tpu.memory_space<vmem>>) target(%dma_start3A_61 : memref<128x256xf32, #tpu.memory_space<hbm>>) target_semaphore(%arg10 : memref<!tpu.dma_semaphore, #tpu.memory_space<semaphore_mem>>)
    %dma_wait3A_62 = arith.constant 384 : i32
    %dma_wait3A_63 = tpu.memref_slice %arg5[%dma_wait3A_62] : memref<512xi32, #tpu.memory_space<vmem>> -> memref<128xi32, #tpu.memory_space<vmem>>
    %dma_wait3A_64 = arith.constant 0 : i32
    %dma_wait3A_65 = arith.constant 0 : i32
    %dma_wait3A_66 = tpu.memref_slice %arg2[%dma_wait3A_64, %dma_wait3A_65] : memref<8192x256xf32, #tpu.memory_space<hbm>> -> memref<8192x256xf32, #tpu.memory_space<hbm>>
    tpu.wait_indirect_dma semaphore(%arg9 : memref<!tpu.dma_semaphore, #tpu.memory_space<semaphore_mem>>) src(%dma_wait3A_66 : memref<8192x256xf32, #tpu.memory_space<hbm>>) dst(%arg7 : memref<128x256xf32, #tpu.memory_space<vmem>>)
    %add3A_67 = arith.constant 384 : i32
    %add3A_68 = arith.addi %mul3A_2, %add3A_67 : i32
    %dma_start3A_69 = arith.constant 0 : i32
    %dma_start3A_70 = tpu.memref_slice %arg4[%add3A_68, %dma_start3A_69] : memref<16384x256xf32, #tpu.memory_space<hbm>> -> memref<128x256xf32, #tpu.memory_space<hbm>>
    %dma_start3A_71 = arith.constant 0 : i32
    %dma_start3A_72 = tpu.memref_slice %arg4[%add3A_68, %dma_start3A_71] : memref<16384x256xf32, #tpu.memory_space<hbm>> -> memref<128x256xf32, #tpu.memory_space<hbm>>
    tpu.enqueue_dma source(%arg7 : memref<128x256xf32, #tpu.memory_space<vmem>>) target(%dma_start3A_72 : memref<128x256xf32, #tpu.memory_space<hbm>>) target_semaphore(%arg11 : memref<!tpu.dma_semaphore, #tpu.memory_space<semaphore_mem>>)
    %dma_wait3A_73 = arith.constant 0 : i32
    %dma_wait3A_74 = tpu.memref_slice %arg4[%add3A_57, %dma_wait3A_73] : memref<16384x256xf32, #tpu.memory_space<hbm>> -> memref<128x256xf32, #tpu.memory_space<hbm>>
    %dma_wait3A_75 = arith.constant 0 : i32
    %dma_wait3A_76 = tpu.memref_slice %arg4[%add3A_57, %dma_wait3A_75] : memref<16384x256xf32, #tpu.memory_space<hbm>> -> memref<128x256xf32, #tpu.memory_space<hbm>>
    tpu.wait_dma2 semaphore(%arg10 : memref<!tpu.dma_semaphore, #tpu.memory_space<semaphore_mem>>) src(%arg6 : memref<128x256xf32, #tpu.memory_space<vmem>>) dst(%dma_wait3A_76 : memref<128x256xf32, #tpu.memory_space<hbm>>)
    %dma_wait3A_77 = arith.constant 0 : i32
    %dma_wait3A_78 = tpu.memref_slice %arg4[%add3A_68, %dma_wait3A_77] : memref<16384x256xf32, #tpu.memory_space<hbm>> -> memref<128x256xf32, #tpu.memory_space<hbm>>
    %dma_wait3A_79 = arith.constant 0 : i32
    %dma_wait3A_80 = tpu.memref_slice %arg4[%add3A_68, %dma_wait3A_79] : memref<16384x256xf32, #tpu.memory_space<hbm>> -> memref<128x256xf32, #tpu.memory_space<hbm>>
    tpu.wait_dma2 semaphore(%arg11 : memref<!tpu.dma_semaphore, #tpu.memory_space<semaphore_mem>>) src(%arg7 : memref<128x256xf32, #tpu.memory_space<vmem>>) dst(%dma_wait3A_80 : memref<128x256xf32, #tpu.memory_space<hbm>>)
    return
  }
}

module attributes {stable_mosaic.version = 14 : i64} {
  func.func @_dist_kernel(%arg0: i32, %arg1: memref<256x256xf32, #tpu.memory_space<vmem>>, %arg2: memref<256x1xf32, #tpu.memory_space<vmem>>, %arg3: memref<256x8192xf32, #tpu.memory_space<vmem>>, %arg4: memref<256x8192xf32, #tpu.memory_space<vmem>>, %arg5: memref<256x1xi32, #tpu.memory_space<vmem>>, %arg6: memref<256x8192xf32, #tpu.memory_space<vmem>>, %arg7: memref<128x256xf32, #tpu.memory_space<vmem>>, %arg8: memref<1x1xf32, #tpu.memory_space<vmem>>, %arg9: memref<1x1xf32, #tpu.memory_space<vmem>>, %arg10: memref<1x8192xf32, #tpu.memory_space<vmem>>, %arg11: memref<1xf32, #tpu.memory_space<smem>>, %arg12: memref<1x8192xf32, #tpu.memory_space<vmem>>) attributes {dimension_semantics = [#tpu.dimension_semantics<arbitrary>], iteration_bounds = array<i64: 64>, scalar_prefetch = 0 : i64, scratch_operands = 3 : i64, tpu.core_type = #tpu.core_type<tc>, window_params = [{transform_indices = @transform_0, window_bounds = array<i64: 256, 256>}, {transform_indices = @transform_1, window_bounds = array<i64: 256, 1>}, {pipeline_mode = #tpu.pipeline_mode<synchronous>, transform_indices = @transform_2, window_bounds = array<i64: 256, 8192>}, {transform_indices = @transform_3, window_bounds = array<i64: 256, 8192>}, {transform_indices = @transform_4, window_bounds = array<i64: 256, 1>}, {transform_indices = @transform_5, window_bounds = array<i64: 256, 8192>}, {transform_indices = @transform_6, window_bounds = array<i64: 128, 256>}, {pipeline_mode = #tpu.pipeline_mode<synchronous>, transform_indices = @transform_7, window_bounds = array<i64: 1, 1>}, {pipeline_mode = #tpu.pipeline_mode<synchronous>, transform_indices = @transform_8, window_bounds = array<i64: 1, 1>}]} {
    %eq3A = arith.constant 0 : i32
    %eq3A_0 = arith.cmpi eq, %arg0, %eq3A : i32
    %convert_element_type3A = arith.extui %eq3A_0 : i1 to i32
    %cond3A = arith.constant 0 : i32
    %cond3A_1 = arith.cmpi ne, %convert_element_type3A, %cond3A : i32
    scf.if %cond3A_1 {
      %get3A_77 = arith.constant 0 : index
      %get3A_78 = arith.constant 0 : index
      %get3A_79 = vector.load %arg3[%get3A_77, %get3A_78] : memref<256x8192xf32, #tpu.memory_space<vmem>>, vector<256x8192xf32>
      %square3A = arith.mulf %get3A_79, %get3A_79 : vector<256x8192xf32>
      %reduce_sum3A_80 = arith.constant dense<0.000000e+00> : vector<8192xf32>
      %reduce_sum3A_81 = vector.multi_reduction <add>, %square3A, %reduce_sum3A_80 [0] : vector<256x8192xf32> to vector<8192xf32>
      %broadcast_in_dim3A_82 = vector.shape_cast %reduce_sum3A_81 : vector<8192xf32> to vector<1x8192xf32>
      %swap3A_83 = arith.constant 0 : index
      %swap3A_84 = arith.constant 0 : index
      %swap3A_85 = vector.load %arg12[%swap3A_83, %swap3A_84] : memref<1x8192xf32, #tpu.memory_space<vmem>>, vector<1x8192xf32>
      tpu.vector_store %arg12[%swap3A_83, %swap3A_84], %broadcast_in_dim3A_82 {strides = array<i32>} : memref<1x8192xf32, #tpu.memory_space<vmem>>, vector<1x8192xf32>,
    } else {
    }
    %get3A = arith.constant 0 : index
    %get3A_2 = arith.constant 0 : index
    %get3A_3 = vector.load %arg1[%get3A, %get3A_2] : memref<256x256xf32, #tpu.memory_space<vmem>>, vector<256x256xf32>
    %get3A_4 = arith.constant 0 : index
    %get3A_5 = arith.constant 0 : index
    %get3A_6 = vector.load %arg3[%get3A_4, %get3A_5] : memref<256x8192xf32, #tpu.memory_space<vmem>>, vector<256x8192xf32>
    %dot_general3A = arith.constant dense<0.000000e+00> : vector<256x8192xf32>
    %dot_general3A_7 = tpu.matmul %get3A_3, %get3A_6, %dot_general3A {dimension_numbers = #tpu.dot_dimension_numbers<[1], [0], [0], [1], [0, 0, 1, 1], [], []>, transpose_lhs_hint = false} : vector<256x256xf32>, vector<256x8192xf32>, vector<256x8192xf32> -> vector<256x8192xf32>
    %get3A_8 = arith.constant 0 : index
    %get3A_9 = arith.constant 0 : index
    %get3A_10 = vector.load %arg2[%get3A_8, %get3A_9] : memref<256x1xf32, #tpu.memory_space<vmem>>, vector<256x1xf32>
    %mul3A = arith.constant 2.000000e+00 : f32
    %mul3A_11 = vector.broadcast %mul3A : f32 to vector<256x8192xf32>
    %mul3A_12 = arith.mulf %mul3A_11, %dot_general3A_7 : vector<256x8192xf32>
    %sub3A = vector.broadcast %get3A_10 : vector<256x1xf32> to vector<256x8192xf32>
    %sub3A_13 = arith.subf %sub3A, %mul3A_12 : vector<256x8192xf32>
    %get3A_14 = arith.constant 0 : index
    %get3A_15 = arith.constant 0 : index
    %get3A_16 = vector.load %arg12[%get3A_14, %get3A_15] : memref<1x8192xf32, #tpu.memory_space<vmem>>, vector<1x8192xf32>
    %add3A = vector.broadcast %get3A_16 : vector<1x8192xf32> to vector<256x8192xf32>
    %add3A_17 = arith.addf %sub3A_13, %add3A : vector<256x8192xf32>
    %swap3A = arith.constant 0 : index
    %swap3A_18 = arith.constant 0 : index
    %swap3A_19 = vector.load %arg4[%swap3A, %swap3A_18] : memref<256x8192xf32, #tpu.memory_space<vmem>>, vector<256x8192xf32>
    tpu.vector_store %arg4[%swap3A, %swap3A_18], %add3A_17 {strides = array<i32>} : memref<256x8192xf32, #tpu.memory_space<vmem>>, vector<256x8192xf32>,
    %reduce_min3A = arith.constant dense<0x7F800000> : vector<256xf32>
    %reduce_min3A_20 = vector.multi_reduction <minimumf>, %add3A_17, %reduce_min3A [1] : vector<256x8192xf32> to vector<256xf32>
    %broadcast_in_dim3A = vector.shape_cast %reduce_min3A_20 : vector<256xf32> to vector<256x1xf32>
    %iota3A = tpu.iota {dimensions = array<i32: 1>} : vector<256x8192xi32>
    %eq3A_21 = vector.broadcast %broadcast_in_dim3A : vector<256x1xf32> to vector<256x8192xf32>
    %eq3A_22 = arith.cmpf oeq, %add3A_17, %eq3A_21 : vector<256x8192xf32>
    %jit3A = arith.constant 8192 : i32
    %broadcast_in_dim3A_23 = vector.broadcast %jit3A : i32 to vector<256x8192xi32>
    %select_n3A = arith.select %eq3A_22, %iota3A, %broadcast_in_dim3A_23 : vector<256x8192xi1>, vector<256x8192xi32>
    %reduce_min3A_24 = arith.constant dense<2147483647> : vector<256xi32>
    %reduce_min3A_25 = vector.multi_reduction <minsi>, %select_n3A, %reduce_min3A_24 [1] : vector<256x8192xi32> to vector<256xi32>
    %broadcast_in_dim3A_26 = vector.shape_cast %reduce_min3A_25 : vector<256xi32> to vector<256x1xi32>
    %swap3A_27 = arith.constant 0 : index
    %swap3A_28 = arith.constant 0 : index
    %swap3A_29 = vector.load %arg5[%swap3A_27, %swap3A_28] : memref<256x1xi32, #tpu.memory_space<vmem>>, vector<256x1xi32>
    tpu.vector_store %arg5[%swap3A_27, %swap3A_28], %broadcast_in_dim3A_26 {strides = array<i32>} : memref<256x1xi32, #tpu.memory_space<vmem>>, vector<256x1xi32>,
    %eq3A_30 = vector.broadcast %broadcast_in_dim3A_26 : vector<256x1xi32> to vector<256x8192xi32>
    %eq3A_31 = arith.cmpi eq, %iota3A, %eq3A_30 : vector<256x8192xi32>
    %jit3A_32 = arith.constant 1.000000e+00 : f32
    %jit3A_33 = arith.constant 0.000000e+00 : f32
    %broadcast_in_dim3A_34 = vector.broadcast %jit3A_32 : f32 to vector<256x8192xf32>
    %broadcast_in_dim3A_35 = vector.broadcast %jit3A_33 : f32 to vector<256x8192xf32>
    %select_n3A_36 = arith.select %eq3A_31, %broadcast_in_dim3A_34, %broadcast_in_dim3A_35 : vector<256x8192xi1>, vector<256x8192xf32>
    %swap3A_37 = arith.constant 0 : index
    %swap3A_38 = arith.constant 0 : index
    %swap3A_39 = vector.load %arg6[%swap3A_37, %swap3A_38] : memref<256x8192xf32, #tpu.memory_space<vmem>>, vector<256x8192xf32>
    tpu.vector_store %arg6[%swap3A_37, %swap3A_38], %select_n3A_36 {strides = array<i32>} : memref<256x8192xf32, #tpu.memory_space<vmem>>, vector<256x8192xf32>,
    %mul3A_40 = arith.constant 128 : i32
    %mul3A_41 = arith.muli %arg0, %mul3A_40 : i32
    %get3A_42 = arith.constant 0 : index
    %get3A_43 = arith.index_cast %mul3A_41 : i32 to index
    %get3A_44 = vector.load %arg3[%get3A_42, %get3A_43] : memref<256x8192xf32, #tpu.memory_space<vmem>>, vector<256x128xf32>
    %transpose3A = tpu.transpose %get3A_44, [1, 0] : vector<256x128xf32> -> vector<128x256xf32>
    %swap3A_45 = arith.constant 0 : index
    %swap3A_46 = arith.constant 0 : index
    %swap3A_47 = vector.load %arg7[%swap3A_45, %swap3A_46] : memref<128x256xf32, #tpu.memory_space<vmem>>, vector<128x256xf32>
    tpu.vector_store %arg7[%swap3A_45, %swap3A_46], %transpose3A {strides = array<i32>} : memref<128x256xf32, #tpu.memory_space<vmem>>, vector<128x256xf32>,
    %eq3A_48 = arith.constant 0 : i32
    %eq3A_49 = arith.cmpi eq, %arg0, %eq3A_48 : i32
    %convert_element_type3A_50 = arith.extui %eq3A_49 : i1 to i32
    %cond3A_51 = arith.constant 0 : i32
    %cond3A_52 = arith.cmpi ne, %convert_element_type3A_50, %cond3A_51 : i32
    scf.if %cond3A_52 {
      %broadcast_in_dim3A_77 = arith.constant 0.000000e+00 : f32
      %broadcast_in_dim3A_78 = vector.broadcast %broadcast_in_dim3A_77 : f32 to vector<1x8192xf32>
      %swap3A_79 = arith.constant 0 : index
      %swap3A_80 = arith.constant 0 : index
      %swap3A_81 = vector.load %arg10[%swap3A_79, %swap3A_80] : memref<1x8192xf32, #tpu.memory_space<vmem>>, vector<1x8192xf32>
      tpu.vector_store %arg10[%swap3A_79, %swap3A_80], %broadcast_in_dim3A_78 {strides = array<i32>} : memref<1x8192xf32, #tpu.memory_space<vmem>>, vector<1x8192xf32>,
      %swap3A_82 = arith.constant 0.000000e+00 : f32
      %swap3A_83 = arith.constant 0 : index
      %swap3A_84 = memref.load %arg11[%swap3A_83] : memref<1xf32, #tpu.memory_space<smem>>
      memref.store %swap3A_82, %arg11[%swap3A_83] : memref<1xf32, #tpu.memory_space<smem>>
    } else {
    }
    %get3A_53 = arith.constant 0 : index
    %get3A_54 = arith.constant 0 : index
    %get3A_55 = vector.load %arg10[%get3A_53, %get3A_54] : memref<1x8192xf32, #tpu.memory_space<vmem>>, vector<1x8192xf32>
    %reduce_sum3A = arith.constant dense<0.000000e+00> : vector<8192xf32>
    %reduce_sum3A_56 = vector.multi_reduction <add>, %select_n3A_36, %reduce_sum3A [0] : vector<256x8192xf32> to vector<8192xf32>
    %broadcast_in_dim3A_57 = vector.shape_cast %reduce_sum3A_56 : vector<8192xf32> to vector<1x8192xf32>
    %add3A_58 = arith.addf %get3A_55, %broadcast_in_dim3A_57 : vector<1x8192xf32>
    %swap3A_59 = arith.constant 0 : index
    %swap3A_60 = arith.constant 0 : index
    %swap3A_61 = vector.load %arg10[%swap3A_59, %swap3A_60] : memref<1x8192xf32, #tpu.memory_space<vmem>>, vector<1x8192xf32>
    tpu.vector_store %arg10[%swap3A_59, %swap3A_60], %add3A_58 {strides = array<i32>} : memref<1x8192xf32, #tpu.memory_space<vmem>>, vector<1x8192xf32>,
    %get3A_62 = arith.constant 0 : index
    %get3A_63 = memref.load %arg11[%get3A_62] : memref<1xf32, #tpu.memory_space<smem>>
    %reduce_sum3A_64 = vector.shape_cast %broadcast_in_dim3A : vector<256x1xf32> to vector<1x256x1xf32>
    %reduce_sum3A_65 = arith.constant dense<0.000000e+00> : vector<1xf32>
    %reduce_sum3A_66 = vector.multi_reduction <add>, %reduce_sum3A_64, %reduce_sum3A_65 [1, 2] : vector<1x256x1xf32> to vector<1xf32>
    %reduce_sum3A_67 = vector.shape_cast %reduce_sum3A_66 : vector<1xf32> to vector<1x1x1xf32>
    %reduce_sum3A_68 = vector.extract %reduce_sum3A_67[0, 0, 0] : f32 from vector<1x1x1xf32>
    %add3A_69 = arith.addf %get3A_63, %reduce_sum3A_68 : f32
    %swap3A_70 = arith.constant 0 : index
    %swap3A_71 = memref.load %arg11[%swap3A_70] : memref<1xf32, #tpu.memory_space<smem>>
    memref.store %add3A_69, %arg11[%swap3A_70] : memref<1xf32, #tpu.memory_space<smem>>
    %eq3A_72 = arith.constant 63 : i32
    %eq3A_73 = arith.cmpi eq, %arg0, %eq3A_72 : i32
    %convert_element_type3A_74 = arith.extui %eq3A_73 : i1 to i32
    %cond3A_75 = arith.constant 0 : i32
    %cond3A_76 = arith.cmpi ne, %convert_element_type3A_74, %cond3A_75 : i32
    scf.if %cond3A_76 {
      %get3A_77 = arith.constant 0 : index
      %get3A_78 = memref.load %arg11[%get3A_77] : memref<1xf32, #tpu.memory_space<smem>>
      %div3A = arith.constant 0x4A800000 : f32
      %div3A_79 = arith.divf %get3A_78, %div3A : f32
      %mul3A_80 = arith.constant 2.500000e-01 : f32
      %mul3A_81 = arith.mulf %mul3A_80, %div3A_79 : f32
      %add3A_82 = arith.addf %div3A_79, %mul3A_81 : f32
      %broadcast_in_dim3A_83 = vector.broadcast %add3A_82 : f32 to vector<1x1xf32>
      %swap3A_84 = arith.constant 0 : index
      %swap3A_85 = arith.constant 0 : index
      %swap3A_86 = vector.load %arg8[%swap3A_84, %swap3A_85] : memref<1x1xf32, #tpu.memory_space<vmem>>, vector<1x1xf32>
      tpu.vector_store %arg8[%swap3A_84, %swap3A_85], %broadcast_in_dim3A_83 {strides = array<i32>} : memref<1x1xf32, #tpu.memory_space<vmem>>, vector<1x1xf32>,
      %get3A_87 = arith.constant 0 : index
      %get3A_88 = arith.constant 0 : index
      %get3A_89 = vector.load %arg10[%get3A_87, %get3A_88] : memref<1x8192xf32, #tpu.memory_space<vmem>>, vector<1x8192xf32>
      %div3A_90 = arith.constant 1.638400e+04 : f32
      %div3A_91 = vector.broadcast %div3A_90 : f32 to vector<1x8192xf32>
      %div3A_92 = arith.divf %get3A_89, %div3A_91 : vector<1x8192xf32>
      %add3A_93 = arith.constant 1.000000e-10 : f32
      %add3A_94 = vector.broadcast %add3A_93 : f32 to vector<1x8192xf32>
      %add3A_95 = arith.addf %div3A_92, %add3A_94 : vector<1x8192xf32>
      %log3A = math.log %add3A_95 : vector<1x8192xf32>
      %mul3A_96 = arith.mulf %div3A_92, %log3A : vector<1x8192xf32>
      %reduce_sum3A_97 = vector.shape_cast %mul3A_96 : vector<1x8192xf32> to vector<1x1x8192xf32>
      %reduce_sum3A_98 = arith.constant dense<0.000000e+00> : vector<1xf32>
      %reduce_sum3A_99 = vector.multi_reduction <add>, %reduce_sum3A_97, %reduce_sum3A_98 [1, 2] : vector<1x1x8192xf32> to vector<1xf32>
      %reduce_sum3A_100 = vector.shape_cast %reduce_sum3A_99 : vector<1xf32> to vector<1x1x1xf32>
      %reduce_sum3A_101 = vector.extract %reduce_sum3A_100[0, 0, 0] : f32 from vector<1x1x1xf32>
      %neg3A = arith.constant 0.000000e+00 : f32
      %neg3A_102 = arith.subf %neg3A, %reduce_sum3A_101 : f32
      %exp3A = math.exp %neg3A_102 : f32
      %broadcast_in_dim3A_103 = vector.broadcast %exp3A : f32 to vector<1x1xf32>
      %swap3A_104 = arith.constant 0 : index
      %swap3A_105 = arith.constant 0 : index
      %swap3A_106 = vector.load %arg9[%swap3A_104, %swap3A_105] : memref<1x1xf32, #tpu.memory_space<vmem>>, vector<1x1xf32>
      tpu.vector_store %arg9[%swap3A_104, %swap3A_105], %broadcast_in_dim3A_103 {strides = array<i32>} : memref<1x1xf32, #tpu.memory_space<vmem>>, vector<1x1xf32>,
    } else {
    }
    return
  }
  func.func @transform_0(%arg0: i32) -> (i32, i32) {
    %c0_i32 = arith.constant 0 : i32
    %c0_i32_0 = arith.constant 0 : i32
    return %arg0, %c0_i32 : i32, i32
  }
  func.func @transform_1(%arg0: i32) -> (i32, i32) {
    %c0_i32 = arith.constant 0 : i32
    %c0_i32_0 = arith.constant 0 : i32
    return %arg0, %c0_i32 : i32, i32
  }
  func.func @transform_2(%arg0: i32) -> (i32, i32) {
    %c0_i32 = arith.constant 0 : i32
    %c0_i32_0 = arith.constant 0 : i32
    %c0_i32_1 = arith.constant 0 : i32
    return %c0_i32, %c0_i32_0 : i32, i32
  }
  func.func @transform_3(%arg0: i32) -> (i32, i32) {
    %c0_i32 = arith.constant 0 : i32
    %c0_i32_0 = arith.constant 0 : i32
    return %arg0, %c0_i32 : i32, i32
  }
  func.func @transform_4(%arg0: i32) -> (i32, i32) {
    %c0_i32 = arith.constant 0 : i32
    %c0_i32_0 = arith.constant 0 : i32
    return %arg0, %c0_i32 : i32, i32
  }
  func.func @transform_5(%arg0: i32) -> (i32, i32) {
    %c0_i32 = arith.constant 0 : i32
    %c0_i32_0 = arith.constant 0 : i32
    return %arg0, %c0_i32 : i32, i32
  }
  func.func @transform_6(%arg0: i32) -> (i32, i32) {
    %c0_i32 = arith.constant 0 : i32
    %c0_i32_0 = arith.constant 0 : i32
    return %arg0, %c0_i32 : i32, i32
  }
  func.func @transform_7(%arg0: i32) -> (i32, i32) {
    %c0_i32 = arith.constant 0 : i32
    %c0_i32_0 = arith.constant 0 : i32
    %c0_i32_1 = arith.constant 0 : i32
    return %c0_i32, %c0_i32_0 : i32, i32
  }
  func.func @transform_8(%arg0: i32) -> (i32, i32) {
    %c0_i32 = arith.constant 0 : i32
    %c0_i32_0 = arith.constant 0 : i32
    %c0_i32_1 = arith.constant 0 : i32
    return %c0_i32, %c0_i32_0 : i32, i32
  }
}

</mosaic_0001>

<sc_bundles>
// kernel: kernel.4.cloned.1.call-start
scs
__scs_entry_jumppad:
0x0: {  	(pc) =	sbr.rel $0x88, $3  }
0x1: {  	(tag) =	ssettag $0x0;
	lr =	simm.s32 $0x1  }
0x2: {  	[smem:$0x3F9F] =	sst lr;
	_ =	strace $0xD0000000  }
0x3: {  	_ = 	snop  }
0x4: {  	_ = 	snop  }
0x5: {  	_ = 	snop  }
0x6: {  	_ = 	snop  }
0x7: {  	_ = 	snop  }
__scs_overlays_trampoline_lowered:
0x8: {  	[smem:$0x3FAE] =	sst s0  }
0x9: {  	[smem:$0x3FAF] =	sst s1  }
0xa: {  	[smem:$0x3FB0] =	sst s2  }
0xb: {  	[smem:$0x3FB1] =	sst s3  }
0xc: {  	[smem:$0x3FB2] =	sst s4  }
0xd: {  	[smem:$0x3FB3] =	sst s5  }
0xe: {  	[smem:$0x3FB4] =	sst s6  }
0xf: {  	[smem:$0x3FB5] =	sst s7  }
0x10: {  	[smem:$0x3FB6] =	sst s8  }
0x11: {  	[smem:$0x3FB7] =	sst s9;
	s0 =	simm.s32 @!p0 $0x0  }
0x12: {  	s1 =	sld [smem:$0x3F9D];
	s0 =	simm.s32 @p0 $0x1  }
0x13: {  	[smem:$0x3FB8] =	sst s0;
	s0 =	simm.s32 @!p1 $0x0  }
0x14: {  	s2 =	sld [smem:$0x3F9C];
	s0 =	simm.s32 @p1 $0x1  }
0x15: {  	[smem:$0x3FB9] =	sst s0;
	s0 =	simm.s32 @!p2 $0x0  }
0x16: {  	s3 =	sld [smem:$0x3FDB];
	s0 =	simm.s32 @p2 $0x1  }
0x17: {  	s4 =	simm.s32 $0x1BF5;
	[smem:$0x3FBB] =	sst s0  }
0x18: {  	s0 =	sld [smem:$0x3F9E];
	_ =	swait.ge [sflag:s4], $0x0  }
0x19: {  	s7 =	sld [smem:$0x3F9F]  }
0x1a: {  	s8 =	sadd.s32 $0xFFFFE003, lr  }
0x1b: {  	s9 =	sadd.s32 $0xFFFFFEF7, lr;
	s5 =	simm.s32 $0xFFFFFFFF;
	p2 =	slt.u32 s8, $0xFFFFF086  }
0x1c: {  	p1 =	slt.u32 s9, $0xF7A;
	s5 =	simm.s32 @!p2 $0x0  }
0x1d: {  	s5 =	simm.s32 @p1 $0x1;
	p0 =	seq.s32 s7, s2  }
0x1e: {  	s7 =	smul.u32 @!p0 $0xF7A, s2;
	p2 =	seq.s32 @!p0 s5, $0x0  }
0x1f: {  	s9 =	smul.u32 $0xF7A, s1;
	s8 =	simm.s32 @!p0 $0x1BF5;
	p2 =	por !p2, p0  }
0x20: {  	[sflag:s8] =	ssyncset.s32 @!p0 $0xFFFFF086;
	s6 =	sadd.s32 @!p0 s3, s7;
	s7 =	simm.s32 @!p0 $0x108  }
0x21: {  	s3 =	sadd.s32 s3, s9;
	s6 =	sadd.s32 @!p0 $0x88, s6;
	s7 =	simm.s32 @p2 $0x1082  }
0x22: {  	[simem:s7], [sflag:s8] =	dma.local @!p0 [hbm:s6], $0xF7A  }
0x23: {  	s9 =	sor.u32 $0xD0000000, s2;
	s6 =	simm.s32 $0x108;
	_ =	swait.ge @!p0 [sflag:s8], $0x0  }
0x24: {  	s3 =	sadd.s32 $0x88, s3;
	s6 =	simm.s32 @!p1 $0x1082;
	[sflag:s4] =	ssyncset.s32 $0xFFFFF086  }
0x25: {  	[simem:s6], [sflag:s4] =	dma.local [hbm:s3], $0xF7A  }
0x26: {  	[smem:$0x3F9F] =	sst s1;
	(tag) =	ssettag s2;
	_ =	strace s9  }
0x27: {  	s1 =	sld [smem:$0x3FAF]  }
0x28: {  	s2 =	sld [smem:$0x3FB0]  }
0x29: {  	s4 =	sld [smem:$0x3FB2]  }
0x2a: {  	p0 =	seq.s32 s5, $0x0;
	s5 =	sld [smem:$0x3FB3]  }
0x2b: {  	s6 =	sld [smem:$0x3FB4]  }
0x2c: {  	s7 =	sld [smem:$0x3FB5]  }
0x2d: {  	s3 =	simm.s32 $0x108;
	s8 =	sld [smem:$0x3FB6]  }
0x2e: {  	s3 =	simm.s32 @!p0 $0x1082;
	s9 =	sld [smem:$0x3FB7]  }
0x2f: {  	lr =	sadd.s32 s0, s3;
	s0 =	sld [smem:$0x3FAE]  }
0x30: {  	s3 =	sld [smem:$0x3FB1]  }
0x31: {  	[smem:$0x3FBA] =	sst s10  }
0x32: {  	s10 =	sld [smem:$0x3FB8];
	_ =	sdelay $0x3  }
0x33: {  	p0 =	seq.s32 s10, $0x1;
	s10 =	sld [smem:$0x3FBA];
	_ =	sdelay $0x3  }
0x34: {  	[smem:$0x3FBA] =	sst s10  }
0x35: {  	s10 =	sld [smem:$0x3FB9];
	_ =	sdelay $0x3  }
0x36: {  	p1 =	seq.s32 s10, $0x1;
	s10 =	sld [smem:$0x3FBA];
	_ =	sdelay $0x3  }
0x37: {  	[smem:$0x3FBA] =	sst s10  }
0x38: {  	s10 =	sld [smem:$0x3FBB]  }
0x39: {  	_ = 	snop;
	(pc) =	sbr.ind lr, $3  }
0x3a: {  	_ = 	snop  }
0x3b: {  	_ = 	snop  }
0x3c: {  	p2 =	seq.s32 s10, $0x1;
	s10 =	sld [smem:$0x3FBA]  }
0x3d: {  	_ =	shalt  }
0x3e: {  	_ =	shalt  }
0x3f: {  	_ =	shalt  }
0x40: {  	_ =	shalt  }
0x41: {  	_ =	shalt  }
0x42: {  	_ =	shalt  }
0x43: {  	_ =	shalt  }
0x44: {  	_ =	shalt  }
0x45: {  	_ =	shalt  }
0x46: {  	_ =	shalt  }
0x47: {  	_ =	shalt  }
0x48: {  	_ =	shalt  }
0x49: {  	_ =	shalt  }
0x4a: {  	_ =	shalt  }
0x4b: {  	_ =	shalt  }
0x4c: {  	_ =	shalt  }
0x4d: {  	_ =	shalt  }
0x4e: {  	_ =	shalt  }
0x4f: {  	_ =	shalt  }
0x50: {  	_ =	shalt  }
0x51: {  	_ =	shalt  }
0x52: {  	_ =	shalt  }
0x53: {  	_ =	shalt  }
0x54: {  	_ =	shalt  }
0x55: {  	_ =	shalt  }
0x56: {  	_ =	shalt  }
0x57: {  	_ =	shalt  }
0x58: {  	_ =	shalt  }
0x59: {  	_ =	shalt  }
0x5a: {  	_ =	shalt  }
0x5b: {  	_ =	shalt  }
0x5c: {  	_ =	shalt  }
0x5d: {  	_ =	shalt  }
0x5e: {  	_ =	shalt  }
0x5f: {  	_ =	shalt  }
0x60: {  	_ =	shalt  }
0x61: {  	_ =	shalt  }
0x62: {  	_ =	shalt  }
0x63: {  	_ =	shalt  }
0x64: {  	_ =	shalt  }
0x65: {  	_ =	shalt  }
0x66: {  	_ =	shalt  }
0x67: {  	_ =	shalt  }
0x68: {  	_ =	shalt  }
0x69: {  	_ =	shalt  }
0x6a: {  	_ =	shalt  }
0x6b: {  	_ =	shalt  }
0x6c: {  	_ =	shalt  }
0x6d: {  	_ =	shalt  }
0x6e: {  	_ =	shalt  }
0x6f: {  	_ =	shalt  }
0x70: {  	_ =	shalt  }
0x71: {  	_ =	shalt  }
0x72: {  	_ =	shalt  }
0x73: {  	_ =	shalt  }
0x74: {  	_ =	shalt  }
0x75: {  	_ =	shalt  }
0x76: {  	_ =	shalt  }
0x77: {  	_ =	shalt  }
0x78: {  	_ =	shalt  }
0x79: {  	_ =	shalt  }
0x7a: {  	_ =	shalt  }
0x7b: {  	_ =	shalt  }
0x7c: {  	_ =	shalt  }
0x7d: {  	_ =	shalt  }
0x7e: {  	_ =	shalt  }
0x7f: {  	_ =	shalt  }
0x80: {  	_ =	shalt  }
0x81: {  	_ =	shalt  }
0x82: {  	_ =	shalt  }
0x83: {  	_ =	shalt  }
0x84: {  	_ =	shalt  }
0x85: {  	_ =	shalt  }
0x86: {  	_ =	shalt  }
0x87: {  	_ =	shalt  }
.Lfunc_end0:
.L_simem_size_0:
called_computation_lowered:
.L_overlay_start_0:
0x88: {  	s2 =	sld [smem:$0x3FD9]  }
0x89: {  	s3 =	sld [smem:$0x3FFE];
	_ =	sdelay $0x1  }
0x8a: {  	s1 =	srdreg.scid  }
0x8b: {  	s0 =	sand.u32 $0x1, s1  }
0x8c: {  	s14 =	sshll.u32 s0, $0xA;
	s2 =	sadd.s32 s3, s2  }
0x8d: {  	s2 =	sadd.s32 s2, s14  }
0x8e: {  	[smem:$0x3FC6] =	sst s2  }
0x8f: {  	_ = 	snop  }
0x90: {  	s2 =	sld [smem:$0x3FD0];
	_ =	sdelay $0x2  }
0x91: {  	s15 =	simm.s32 $0xA;
	s4 =	simm.s32 $0x10  }
0x92: {  	[smem:s4], [sflag:s15] =	dma.local [hbm:s2], $0x1  }
0x93: {  	_ =	swait.eq [sflag:s15], $0x1  }
0x94: {  	[sflag:s15] =	ssyncset.done $0x0  }
0x95: {  	[sflag:s15] =	ssyncadd.s32 $0xFFFFFFFF  }
0x96: {  	s16 =	sld [smem:$0x10];
	(tm) =	ssettm $0x1  }
0x97: {  	s17 =	sld [smem:$0x3FFB];
	_ =	sdelay $0x3  }
0x98: {  	_ =	strace s17  }
0x99: {  	s3 =	sld [smem:$0x3FFC];
	_ =	sdelay $0x3  }
0x9a: {  	_ =	strace s3  }
0x9b: {  	s3 =	sld [smem:$0x3FFD];
	_ =	sdelay $0x3  }
0x9c: {  	_ =	strace s3  }
0x9d: {  	_ =	strace $0x8FFFFFFF  }
0x9e: {  	s18 =	sld [smem:$0x3FDB];
	_ =	sdelay $0x1  }
0x9f: {  	s19 =	simm.s32 $_scs_section_size  }
0xa0: {  	s5 =	simm.s32 $_size__tile_overlayer_lowered;
	s6 =	simm.s32 $_tile_overlayer_lowered  }
0xa1: {  	s22 =	simm.s32 $0x1BFF;
	s21 =	sshll.u32 s6, $0x1;
	s3 =	sadd.s32 s19, s18  }
0xa2: {  	s7 =	simm.s32 $0x0;
	s20 =	sshll.u32 s5, $0x1;
	s5 =	sadd.s32 s21, s3  }
0xa3: {  	[timem:s7], [sflag:s22] =	dma.local [hbm:s5], s20  }
0xa4: {  	_ =	swait.ge [sflag:s22], s20  }
0xa5: {  	s4 =	ssub.s32 $0x0, s20;
	[sflag:s22] =	ssyncset.done $0x0  }
0xa6: {  	[sflag:s22] =	ssyncadd.s32 s4;
	_ =	sdelay $0x1  }
0xa7: {  	s23 =	simm.s32 $0x1B8B  }
0xa8: {  	_ =	swait.ge [sflag:s23], $0x1  }
0xa9: {  	[sflag:s23] =	ssyncset.done $0x0  }
0xaa: {  	s25 =	simm.s32 $0x1B8E;
	s24 =	sld [smem:$0x3FFE];
	[sflag:s23] =	ssyncadd.s32 $0xFFFFFFFF  }
0xab: {  	s26 =	simm.s32 $execute0_lowered;
	[smem:$0x3FD2] =	sst s25  }
0xac: {  	s5 =	sshll.u32 s26, $0x1;
	_ =	strace $0x80000046;
	[dreg:$0x1] =	wrdreg $0xFFFFFFFF  }
0xad: {  	s28 =	simm.s32 $_size_execute0_lowered;
	s3 =	sadd.s32 s3, s5;
	[dreg:$0x0] =	wrdreg $0x0  }
0xae: {  	s5 =	sshll.u32 s28, $0x1;
	[dreg:$0x2] =	wrdreg s3  }
0xaf: {  	[dreg:$0x3] =	wrdreg s5  }
0xb0: {  	[dreg:$0x4] =	wrdreg $0xC0  }
0xb1: {  	_ =	task [dreg:s7], $0x5FFFF  }
0xb2: {  	[dreg:$0x1] =	wrdreg $0xFFFFFFFF  }
0xb3: {  	[dreg:$0x0] =	wrdreg $0x60  }
0xb4: {  	[dreg:$0x2] =	wrdreg s24  }
0xb5: {  	[dreg:$0x3] =	wrdreg s16  }
0xb6: {  	[dreg:$0x4] =	wrdreg $0x9  }
0xb7: {  	_ =	task.clear_ibuf [dreg:s7], $0x5FFFF;
	_ =	strace $0x90000046  }
0xb8: {  	s29 =	simm.s32 $0x9;
	_ =	strace $0x80000048  }
0xb9: {  	_ =	swait.ge [sflag:s29], $0x1  }
0xba: {  	[sflag:s29] =	ssyncadd.s32 $0xFFFFFFFF  }
0xbb: {  	_ =	strace $0x90000048  }
0xbc: {  	_ =	sfence  }
0xbd: {  	s30 =	sld [smem:$0x0];
	_ =	sdelay $0x2  }
0xbe: {  	s31 =	sshll.u32 s1, $0xD;
	s1 =	sshrl.u32 s1, $0x2  }
0xbf: {  	s3 =	sand.u32 $0x4000, s31;
	s1 =	sadd.s32 s1, s30  }
0xc0: {  	s0 =	sor.u32 s3, s0;
	s1 =	sshll.u32 s1, $0x11  }
0xc1: {  	s0 =	sor.u32 s1, s0  }
0xc2: {  	s0 =	sadd.s32 $0x8F2B, s0  }
0xc3: {  	[sflag:s0] =	ssyncadd.remote.s32 $0x1  }
0xc4: {  	_ =	sfence.sel $0xFFFF  }
0xc5: {  	[dreg:$0x0] =	wrdreg $0xFFFFFFFF;
	(pc) =	sbr.abs _section_cstart, $3  }
0xc6: {  	[dreg:$0x1] =	wrdreg $0xFFFFFFFF  }
0xc7: {  	_ =	task.clear_ibuf [dreg:s7], $0x2FFFF;
	_ =	strace $0x9FFFFFFF  }
0xc8: {  	(tm) =	ssettm $0x7FFFFFFF  }
0xc9: {  	_ =	shalt  }
tec
execute0_lowered:
.L_overlay_start_1:
0x0: {  	(tag) =	ssettag $0x1  }
0x1: {  	s0 =	srdreg.scid;
	s1 =	rddreg [dreg:$0x0]  }
0x2: {  	s2 =	stileid.u32;
	s4 =	rddreg [dreg:$0x1];
	s16 =	simm.s32 $0x3  }
0x3: {  	s17 =	simm.s32 $0x4;
	s19 =	simm.s32 $0x1200;
	s20 =	simm.s32 $0x1A00  }
0x4: {  	s21 =	simm.s32 $0x2200;
	s28 =	simm.s32 $0x4200;
	s29 =	simm.s32 $0x4A00  }
0x5: {  	s30 =	simm.s32 $0x5200;
	s31 =	simm.s32 $0x5A00;
	s8 =	simm.s32 $0x7200  }
0x6: {  	s9 =	simm.s32 $0x7A00;
	s10 =	simm.s32 $0x8A00;
	s11 =	simm.s32 $0x9200  }
0x7: {  	s13 =	simm.s32 $0xA200;
	s14 =	simm.s32 $0xAA00;
	s15 =	simm.s32 $0x200  }
0x8: {  	s0 =	sand.u32 $0x1, s0;
	s3 =	sshll.u32 s2, $0xA;
	s2 =	simm.s32 $0x0  }
0x9: {  	s5 =	sshll.u32 s0, $0x9;
	[smem:$0x7FF] =	sst s2;
	s0 =	ssub.s32 $0x2, s0  }
0xa: {  	s3 =	sor.u32 s5, s3;
	_ =	strace $0x80000047;
	s24 =	sshrl.u32 s0, $0x1  }
0xb: {  	s5 =	sshrl.u32 s3, $0x3;
	s6 =	sshll.u32 s3, $0x5;
	s3 =	sadd.s32 $0x40000, s1  }
0xc: {  	s0 =	ssub.s32 s0, s24;
	s5 =	sadd.s32 s5, s1;
	s4 =	sadd.s32 s4, s6  }
0xd: {  	s24 =	simm.s32 $0xC200;
	s22 =	sadd.s32 $0x80000, s5;
	[dreg:$0x7] =	wrdreg s4  }
0xe: {  	s6 =	simm.s32 $0x2;
	s23 =	sadd.s32 $0x1000, s4;
	[dreg:$0x3] =	wrdreg s22  }
0xf: {  	s1 =	simm.s32 $0x6200;
	s25 =	sadd.s32 $0x2000, s4;
	[dreg:$0x4] =	wrdreg s23  }
0x10: {  	v2 =	vlaneseq.u32;
	s26 =	sadd.s32 $0x3000, s4;
	s5 =	smax.u32 s0, $0x1;
	[dreg:$0x5] =	wrdreg s25  }
0x11: {  	vm0 =	vmmov $0xffff;
	v1 =	vshrl.u32 v2, $0x3;
	s4 =	simm.s32 $0x6A00;
	[dreg:$0x6] =	wrdreg s26;
	s22 =	simm.s32 $0x2A00  }
0x12: {  	v0 =	vand.u32 $0x7, v2;
	v2 =	vor.u32 $0x8, v2;
	v1 =	vmul.u32 $0x8, v1;
	s25 =	simm.s32 $0x3200;
	s26 =	simm.s32 $0x3A00;
	s23 =	simm.s32 $0x8200  }
.LBB2_1:
0x13: {  	s18 =	rddreg [dreg:$0x3];
	s0 =	simm.s32 $0x5  }
0x14: {  	[tilespmem:s2], [sflag:$0x5] =	stream.linear.gather [hbm4b:s18+s2], $0x200, $0x38;
	[tilespmem:$0x10200] =	vst v63  }
0x15: {  	_ =	swait.ge [sflag:s0], $0x200  }
0x16: {  	[sflag:s0] =	ssyncset.done $0x0  }
0x17: {  	[sflag:s0] =	ssyncadd.s32 $0xFFFFFE00  }
0x18: {  	v3 =	vld [tilespmem:$0x0];
	_ =	sdelay $0x4  }
0x19: {  	v4 =	vshll.u32 v3, $0x1  }
0x1a: {  	v3 =	vand.u32 $0x7, v3;
	v4 =	vand.u32 $0xFFFFFFF0, v4  }
0x1b: {  	v3 =	vor.u32 v3, v4  }
0x1c: {  	v4 =	vperm.xlane v3, v0;
	_ =	sdelay $0x1  }
0x1d: {  	v3 =	vperm.xlane v3, v2;
	v4 =	vadd.s32 v1, v4;
	_ =	sdelay $0x1  }
0x1e: {  	v3 =	vadd.s32 v1, v3;
	_ =	sdelay $0x1  }
0x1f: {  	s7 =	simm.s32 $0x200  }
0x20: {  	[tilespmem:s7], [sflag:$0x1] =	stream.indirect_vreg.gather [hbm4b:s3+s2], $0x80, v4, vm0, $0xb8;
	[tilespmem:$0x10200] =	vst v63  }
0x21: {  	s18 =	simm.s32 $0xA00  }
0x22: {  	[tilespmem:s18], [sflag:$0x1] =	stream.indirect_vreg.gather [hbm4b:s3+s2], $0x80, v3, vm0, $0xb8;
	[tilespmem:$0x10200] =	vst v63  }
0x23: {  	v3 =	vld [tilespmem:$0x10];
	_ =	sdelay $0x4  }
0x24: {  	v33 =	vshll.u32 v3, $0x1  }
0x25: {  	v3 =	vand.u32 $0x7, v3;
	v4 =	vand.u32 $0xFFFFFFF0, v33  }
0x26: {  	v3 =	vor.u32 v3, v4  }
0x27: {  	v4 =	vperm.xlane v3, v0;
	_ =	sdelay $0x1  }
0x28: {  	v3 =	vperm.xlane v3, v2;
	v4 =	vadd.s32 v1, v4;
	_ =	sdelay $0x1  }
0x29: {  	v3 =	vadd.s32 v1, v3;
	_ =	sdelay $0x2  }
0x2a: {  	[tilespmem:s19], [sflag:$0x1] =	stream.indirect_vreg.gather [hbm4b:s3+s2], $0x80, v4, vm0, $0xb8;
	[tilespmem:$0x10200] =	vst v63  }
0x2b: {  	_ = 	snop  }
0x2c: {  	[tilespmem:s20], [sflag:$0x1] =	stream.indirect_vreg.gather [hbm4b:s3+s2], $0x80, v3, vm0, $0xb8;
	[tilespmem:$0x10200] =	vst v63  }
0x2d: {  	v3 =	vld [tilespmem:$0x20];
	_ =	sdelay $0x4  }
0x2e: {  	v34 =	vshll.u32 v3, $0x1  }
0x2f: {  	v3 =	vand.u32 $0x7, v3;
	v4 =	vand.u32 $0xFFFFFFF0, v34  }
0x30: {  	v3 =	vor.u32 v3, v4  }
0x31: {  	v4 =	vperm.xlane v3, v0;
	_ =	sdelay $0x1  }
0x32: {  	v3 =	vperm.xlane v3, v2;
	v4 =	vadd.s32 v1, v4;
	_ =	sdelay $0x1  }
0x33: {  	v3 =	vadd.s32 v1, v3;
	_ =	sdelay $0x2  }
0x34: {  	[tilespmem:s21], [sflag:$0x1] =	stream.indirect_vreg.gather [hbm4b:s3+s2], $0x80, v4, vm0, $0xb8;
	[tilespmem:$0x10200] =	vst v63  }
0x35: {  	_ = 	snop  }
0x36: {  	[tilespmem:s22], [sflag:$0x1] =	stream.indirect_vreg.gather [hbm4b:s3+s2], $0x80, v3, vm0, $0xb8;
	[tilespmem:$0x10200] =	vst v63  }
0x37: {  	v3 =	vld [tilespmem:$0x30];
	_ =	sdelay $0x4  }
0x38: {  	v35 =	vshll.u32 v3, $0x1  }
0x39: {  	v3 =	vand.u32 $0x7, v3;
	v4 =	vand.u32 $0xFFFFFFF0, v35  }
0x3a: {  	v3 =	vor.u32 v3, v4  }
0x3b: {  	v4 =	vperm.xlane v3, v0;
	_ =	sdelay $0x1  }
0x3c: {  	v3 =	vperm.xlane v3, v2;
	v4 =	vadd.s32 v1, v4;
	_ =	sdelay $0x1  }
0x3d: {  	v3 =	vadd.s32 v1, v3;
	_ =	sdelay $0x2  }
0x3e: {  	[tilespmem:s25], [sflag:$0x1] =	stream.indirect_vreg.gather [hbm4b:s3+s2], $0x80, v4, vm0, $0xb8;
	[tilespmem:$0x10200] =	vst v63  }
0x3f: {  	_ = 	snop  }
0x40: {  	[tilespmem:s26], [sflag:$0x1] =	stream.indirect_vreg.gather [hbm4b:s3+s2], $0x80, v3, vm0, $0xb8;
	[tilespmem:$0x10200] =	vst v63  }
0x41: {  	v3 =	vld [tilespmem:$0x40];
	_ =	sdelay $0x4  }
0x42: {  	v36 =	vshll.u32 v3, $0x1  }
0x43: {  	v3 =	vand.u32 $0x7, v3;
	v4 =	vand.u32 $0xFFFFFFF0, v36  }
0x44: {  	v3 =	vor.u32 v3, v4  }
0x45: {  	v4 =	vperm.xlane v3, v0;
	_ =	sdelay $0x1  }
0x46: {  	v3 =	vperm.xlane v3, v2;
	v4 =	vadd.s32 v1, v4;
	_ =	sdelay $0x1  }
0x47: {  	v3 =	vadd.s32 v1, v3;
	_ =	sdelay $0x2  }
0x48: {  	[tilespmem:s28], [sflag:$0x1] =	stream.indirect_vreg.gather [hbm4b:s3+s2], $0x80, v4, vm0, $0xb8;
	[tilespmem:$0x10200] =	vst v63  }
0x49: {  	_ = 	snop  }
0x4a: {  	[tilespmem:s29], [sflag:$0x1] =	stream.indirect_vreg.gather [hbm4b:s3+s2], $0x80, v3, vm0, $0xb8;
	[tilespmem:$0x10200] =	vst v63  }
0x4b: {  	v3 =	vld [tilespmem:$0x50];
	_ =	sdelay $0x4  }
0x4c: {  	v37 =	vshll.u32 v3, $0x1  }
0x4d: {  	v3 =	vand.u32 $0x7, v3;
	v4 =	vand.u32 $0xFFFFFFF0, v37  }
0x4e: {  	v3 =	vor.u32 v3, v4  }
0x4f: {  	v4 =	vperm.xlane v3, v0;
	_ =	sdelay $0x1  }
0x50: {  	v3 =	vperm.xlane v3, v2;
	v4 =	vadd.s32 v1, v4;
	_ =	sdelay $0x1  }
0x51: {  	v3 =	vadd.s32 v1, v3;
	_ =	sdelay $0x2  }
0x52: {  	[tilespmem:s30], [sflag:$0x1] =	stream.indirect_vreg.gather [hbm4b:s3+s2], $0x80, v4, vm0, $0xb8;
	[tilespmem:$0x10200] =	vst v63  }
0x53: {  	_ = 	snop  }
0x54: {  	[tilespmem:s31], [sflag:$0x1] =	stream.indirect_vreg.gather [hbm4b:s3+s2], $0x80, v3, vm0, $0xb8;
	[tilespmem:$0x10200] =	vst v63  }
0x55: {  	v3 =	vld [tilespmem:$0x60];
	_ =	sdelay $0x4  }
0x56: {  	v38 =	vshll.u32 v3, $0x1  }
0x57: {  	v3 =	vand.u32 $0x7, v3;
	v4 =	vand.u32 $0xFFFFFFF0, v38  }
0x58: {  	v3 =	vor.u32 v3, v4  }
0x59: {  	v4 =	vperm.xlane v3, v0;
	_ =	sdelay $0x1  }
0x5a: {  	v3 =	vperm.xlane v3, v2;
	v4 =	vadd.s32 v1, v4;
	_ =	sdelay $0x1  }
0x5b: {  	v3 =	vadd.s32 v1, v3;
	_ =	sdelay $0x2  }
0x5c: {  	[tilespmem:s1], [sflag:$0x1] =	stream.indirect_vreg.gather [hbm4b:s3+s2], $0x80, v4, vm0, $0xb8;
	[tilespmem:$0x10200] =	vst v63  }
0x5d: {  	_ = 	snop  }
0x5e: {  	[tilespmem:s4], [sflag:$0x1] =	stream.indirect_vreg.gather [hbm4b:s3+s2], $0x80, v3, vm0, $0xb8;
	[tilespmem:$0x10200] =	vst v63  }
0x5f: {  	v3 =	vld [tilespmem:$0x70];
	_ =	sdelay $0x4  }
0x60: {  	v39 =	vshll.u32 v3, $0x1  }
0x61: {  	v3 =	vand.u32 $0x7, v3;
	v4 =	vand.u32 $0xFFFFFFF0, v39  }
0x62: {  	v3 =	vor.u32 v3, v4  }
0x63: {  	v4 =	vperm.xlane v3, v0;
	_ =	sdelay $0x1  }
0x64: {  	v3 =	vperm.xlane v3, v2;
	v4 =	vadd.s32 v1, v4;
	_ =	sdelay $0x1  }
0x65: {  	v3 =	vadd.s32 v1, v3;
	_ =	sdelay $0x2  }
0x66: {  	[tilespmem:s8], [sflag:$0x1] =	stream.indirect_vreg.gather [hbm4b:s3+s2], $0x80, v4, vm0, $0xb8;
	[tilespmem:$0x10200] =	vst v63  }
0x67: {  	s0 =	simm.s32 $0x1  }
0x68: {  	[tilespmem:s9], [sflag:$0x1] =	stream.indirect_vreg.gather [hbm4b:s3+s2], $0x80, v3, vm0, $0xb8;
	[tilespmem:$0x10200] =	vst v63  }
0x69: {  	_ =	swait.ge [sflag:s0], $0x8000  }
0x6a: {  	[sflag:s0] =	ssyncset.done $0x0  }
0x6b: {  	[sflag:s0] =	ssyncadd.s32 $0xFFFF8000  }
0x6c: {  	v3 =	vld [tilespmem:$0x80];
	_ =	sdelay $0x4  }
0x6d: {  	v40 =	vshll.u32 v3, $0x1  }
0x6e: {  	v3 =	vand.u32 $0x7, v3;
	v4 =	vand.u32 $0xFFFFFFF0, v40  }
0x6f: {  	v3 =	vor.u32 v3, v4  }
0x70: {  	v4 =	vperm.xlane v3, v0;
	_ =	sdelay $0x1  }
0x71: {  	v3 =	vperm.xlane v3, v2;
	v4 =	vadd.s32 v1, v4;
	_ =	sdelay $0x1  }
0x72: {  	v3 =	vadd.s32 v1, v3;
	_ =	sdelay $0x2  }
0x73: {  	[tilespmem:s23], [sflag:$0x2] =	stream.indirect_vreg.gather [hbm4b:s3+s2], $0x80, v4, vm0, $0xb8;
	[tilespmem:$0x10200] =	vst v63  }
0x74: {  	_ = 	snop  }
0x75: {  	[tilespmem:s10], [sflag:$0x2] =	stream.indirect_vreg.gather [hbm4b:s3+s2], $0x80, v3, vm0, $0xb8;
	[tilespmem:$0x10200] =	vst v63  }
0x76: {  	v3 =	vld [tilespmem:$0x90];
	_ =	sdelay $0x4  }
0x77: {  	v41 =	vshll.u32 v3, $0x1  }
0x78: {  	v3 =	vand.u32 $0x7, v3;
	v4 =	vand.u32 $0xFFFFFFF0, v41  }
0x79: {  	v3 =	vor.u32 v3, v4  }
0x7a: {  	v4 =	vperm.xlane v3, v0;
	_ =	sdelay $0x1  }
0x7b: {  	v3 =	vperm.xlane v3, v2;
	v4 =	vadd.s32 v1, v4;
	_ =	sdelay $0x1  }
0x7c: {  	v3 =	vadd.s32 v1, v3;
	_ =	sdelay $0x2  }
0x7d: {  	[tilespmem:s11], [sflag:$0x2] =	stream.indirect_vreg.gather [hbm4b:s3+s2], $0x80, v4, vm0, $0xb8;
	[tilespmem:$0x10200] =	vst v63  }
0x7e: {  	s7 =	simm.s32 $0x9A00  }
0x7f: {  	[tilespmem:s7], [sflag:$0x2] =	stream.indirect_vreg.gather [hbm4b:s3+s2], $0x80, v3, vm0, $0xb8;
	[tilespmem:$0x10200] =	vst v63  }
0x80: {  	v3 =	vld [tilespmem:$0xA0];
	_ =	sdelay $0x4  }
0x81: {  	v42 =	vshll.u32 v3, $0x1  }
0x82: {  	v3 =	vand.u32 $0x7, v3;
	v4 =	vand.u32 $0xFFFFFFF0, v42  }
0x83: {  	v3 =	vor.u32 v3, v4  }
0x84: {  	v4 =	vperm.xlane v3, v0;
	_ =	sdelay $0x1  }
0x85: {  	v3 =	vperm.xlane v3, v2;
	v4 =	vadd.s32 v1, v4;
	_ =	sdelay $0x1  }
0x86: {  	v3 =	vadd.s32 v1, v3;
	_ =	sdelay $0x2  }
0x87: {  	[tilespmem:s13], [sflag:$0x2] =	stream.indirect_vreg.gather [hbm4b:s3+s2], $0x80, v4, vm0, $0xb8;
	[tilespmem:$0x10200] =	vst v63  }
0x88: {  	_ = 	snop  }
0x89: {  	[tilespmem:s14], [sflag:$0x2] =	stream.indirect_vreg.gather [hbm4b:s3+s2], $0x80, v3, vm0, $0xb8;
	[tilespmem:$0x10200] =	vst v63  }
0x8a: {  	v3 =	vld [tilespmem:$0xB0];
	_ =	sdelay $0x4  }
0x8b: {  	v43 =	vshll.u32 v3, $0x1  }
0x8c: {  	v3 =	vand.u32 $0x7, v3;
	v4 =	vand.u32 $0xFFFFFFF0, v43  }
0x8d: {  	v3 =	vor.u32 v3, v4  }
0x8e: {  	v4 =	vperm.xlane v3, v0;
	_ =	sdelay $0x1  }
0x8f: {  	v3 =	vperm.xlane v3, v2;
	v4 =	vadd.s32 v1, v4;
	_ =	sdelay $0x1  }
0x90: {  	v3 =	vadd.s32 v1, v3;
	_ =	sdelay $0x1  }
0x91: {  	s12 =	simm.s32 $0xB200  }
0x92: {  	[tilespmem:s12], [sflag:$0x2] =	stream.indirect_vreg.gather [hbm4b:s3+s2], $0x80, v4, vm0, $0xb8;
	[tilespmem:$0x10200] =	vst v63  }
0x93: {  	s7 =	simm.s32 $0xBA00  }
0x94: {  	[tilespmem:s7], [sflag:$0x2] =	stream.indirect_vreg.gather [hbm4b:s3+s2], $0x80, v3, vm0, $0xb8;
	[tilespmem:$0x10200] =	vst v63  }
0x95: {  	v3 =	vld [tilespmem:$0xC0];
	_ =	sdelay $0x4  }
0x96: {  	v44 =	vshll.u32 v3, $0x1  }
0x97: {  	v3 =	vand.u32 $0x7, v3;
	v4 =	vand.u32 $0xFFFFFFF0, v44  }
0x98: {  	v3 =	vor.u32 v3, v4  }
0x99: {  	v4 =	vperm.xlane v3, v0;
	_ =	sdelay $0x1  }
0x9a: {  	v3 =	vperm.xlane v3, v2;
	v4 =	vadd.s32 v1, v4;
	_ =	sdelay $0x1  }
0x9b: {  	v3 =	vadd.s32 v1, v3;
	_ =	sdelay $0x2  }
0x9c: {  	[tilespmem:s24], [sflag:$0x2] =	stream.indirect_vreg.gather [hbm4b:s3+s2], $0x80, v4, vm0, $0xb8;
	[tilespmem:$0x10200] =	vst v63  }
0x9d: {  	s12 =	simm.s32 $0xCA00  }
0x9e: {  	[tilespmem:s12], [sflag:$0x2] =	stream.indirect_vreg.gather [hbm4b:s3+s2], $0x80, v3, vm0, $0xb8;
	[tilespmem:$0x10200] =	vst v63  }
0x9f: {  	v3 =	vld [tilespmem:$0xD0];
	_ =	sdelay $0x4  }
0xa0: {  	v45 =	vshll.u32 v3, $0x1  }
0xa1: {  	v3 =	vand.u32 $0x7, v3;
	v4 =	vand.u32 $0xFFFFFFF0, v45  }
0xa2: {  	v3 =	vor.u32 v3, v4  }
0xa3: {  	v4 =	vperm.xlane v3, v0;
	_ =	sdelay $0x1  }
0xa4: {  	v3 =	vperm.xlane v3, v2;
	v4 =	vadd.s32 v1, v4;
	_ =	sdelay $0x1  }
0xa5: {  	v3 =	vadd.s32 v1, v3;
	_ =	sdelay $0x1  }
0xa6: {  	s12 =	simm.s32 $0xD200  }
0xa7: {  	[tilespmem:s12], [sflag:$0x2] =	stream.indirect_vreg.gather [hbm4b:s3+s2], $0x80, v4, vm0, $0xb8;
	[tilespmem:$0x10200] =	vst v63  }
0xa8: {  	s12 =	simm.s32 $0xDA00  }
0xa9: {  	[tilespmem:s12], [sflag:$0x2] =	stream.indirect_vreg.gather [hbm4b:s3+s2], $0x80, v3, vm0, $0xb8;
	[tilespmem:$0x10200] =	vst v63  }
0xaa: {  	v3 =	vld [tilespmem:$0xE0];
	_ =	sdelay $0x4  }
0xab: {  	v46 =	vshll.u32 v3, $0x1  }
0xac: {  	v3 =	vand.u32 $0x7, v3;
	v4 =	vand.u32 $0xFFFFFFF0, v46  }
0xad: {  	v3 =	vor.u32 v3, v4  }
0xae: {  	v4 =	vperm.xlane v3, v0;
	_ =	sdelay $0x1  }
0xaf: {  	v3 =	vperm.xlane v3, v2;
	v4 =	vadd.s32 v1, v4;
	_ =	sdelay $0x1  }
0xb0: {  	v3 =	vadd.s32 v1, v3;
	_ =	sdelay $0x1  }
0xb1: {  	s12 =	simm.s32 $0xE200  }
0xb2: {  	[tilespmem:s12], [sflag:$0x2] =	stream.indirect_vreg.gather [hbm4b:s3+s2], $0x80, v4, vm0, $0xb8;
	[tilespmem:$0x10200] =	vst v63  }
0xb3: {  	s12 =	simm.s32 $0xEA00  }
0xb4: {  	[tilespmem:s12], [sflag:$0x2] =	stream.indirect_vreg.gather [hbm4b:s3+s2], $0x80, v3, vm0, $0xb8;
	[tilespmem:$0x10200] =	vst v63  }
0xb5: {  	v3 =	vld [tilespmem:$0xF0];
	_ =	sdelay $0x4  }
0xb6: {  	v47 =	vshll.u32 v3, $0x1  }
0xb7: {  	v3 =	vand.u32 $0x7, v3;
	v4 =	vand.u32 $0xFFFFFFF0, v47  }
0xb8: {  	v3 =	vor.u32 v3, v4  }
0xb9: {  	v4 =	vperm.xlane v3, v0;
	_ =	sdelay $0x1  }
0xba: {  	v3 =	vperm.xlane v3, v2;
	v4 =	vadd.s32 v1, v4;
	_ =	sdelay $0x1  }
0xbb: {  	v3 =	vadd.s32 v1, v3;
	_ =	sdelay $0x1  }
0xbc: {  	s12 =	simm.s32 $0xF200  }
0xbd: {  	[tilespmem:s12], [sflag:$0x2] =	stream.indirect_vreg.gather [hbm4b:s3+s2], $0x80, v4, vm0, $0xb8;
	[tilespmem:$0x10200] =	vst v63  }
0xbe: {  	s12 =	simm.s32 $0xFA00  }
0xbf: {  	[tilespmem:s12], [sflag:$0x2] =	stream.indirect_vreg.gather [hbm4b:s3+s2], $0x80, v3, vm0, $0xb8;
	[tilespmem:$0x10200] =	vst v63  }
0xc0: {  	s12 =	rddreg [dreg:$0x7]  }
0xc1: {  	[hbm4b:s12+s2] =	stream.linear.scatter [tilespmem:s15], [sflag:$0x3], $0x8000, $0x38;
	[tilespmem:$0x10200] =	vst v63  }
0xc2: {  	_ =	swait.ge [sflag:s6], $0x8000  }
0xc3: {  	[sflag:s6] =	ssyncset.done $0x0  }
0xc4: {  	[sflag:s6] =	ssyncadd.s32 $0xFFFF8000  }
0xc5: {  	_ =	swait.ge [sflag:s16], $0x8000  }
0xc6: {  	[sflag:s16] =	ssyncset.done $0x0  }
0xc7: {  	[sflag:s16] =	ssyncadd.s32 $0xFFFF8000  }
0xc8: {  	v3 =	vld [tilespmem:$0x100];
	_ =	sdelay $0x4  }
0xc9: {  	v48 =	vshll.u32 v3, $0x1  }
0xca: {  	v3 =	vand.u32 $0x7, v3;
	v4 =	vand.u32 $0xFFFFFFF0, v48  }
0xcb: {  	v3 =	vor.u32 v3, v4  }
0xcc: {  	v4 =	vperm.xlane v3, v0;
	_ =	sdelay $0x1  }
0xcd: {  	v3 =	vperm.xlane v3, v2;
	v4 =	vadd.s32 v1, v4;
	_ =	sdelay $0x1  }
0xce: {  	v3 =	vadd.s32 v1, v3;
	_ =	sdelay $0x2  }
0xcf: {  	[tilespmem:s15], [sflag:$0x1] =	stream.indirect_vreg.gather [hbm4b:s3+s2], $0x80, v4, vm0, $0xb8;
	[tilespmem:$0x10200] =	vst v63  }
0xd0: {  	_ = 	snop  }
0xd1: {  	[tilespmem:s18], [sflag:$0x1] =	stream.indirect_vreg.gather [hbm4b:s3+s2], $0x80, v3, vm0, $0xb8;
	[tilespmem:$0x10200] =	vst v63  }
0xd2: {  	v3 =	vld [tilespmem:$0x110];
	_ =	sdelay $0x4  }
0xd3: {  	v49 =	vshll.u32 v3, $0x1  }
0xd4: {  	v3 =	vand.u32 $0x7, v3;
	v4 =	vand.u32 $0xFFFFFFF0, v49  }
0xd5: {  	v3 =	vor.u32 v3, v4  }
0xd6: {  	v4 =	vperm.xlane v3, v0;
	_ =	sdelay $0x1  }
0xd7: {  	v3 =	vperm.xlane v3, v2;
	v4 =	vadd.s32 v1, v4;
	_ =	sdelay $0x1  }
0xd8: {  	v3 =	vadd.s32 v1, v3;
	_ =	sdelay $0x2  }
0xd9: {  	[tilespmem:s19], [sflag:$0x1] =	stream.indirect_vreg.gather [hbm4b:s3+s2], $0x80, v4, vm0, $0xb8;
	[tilespmem:$0x10200] =	vst v63  }
0xda: {  	_ = 	snop  }
0xdb: {  	[tilespmem:s20], [sflag:$0x1] =	stream.indirect_vreg.gather [hbm4b:s3+s2], $0x80, v3, vm0, $0xb8;
	[tilespmem:$0x10200] =	vst v63  }
0xdc: {  	v3 =	vld [tilespmem:$0x120];
	_ =	sdelay $0x4  }
0xdd: {  	v50 =	vshll.u32 v3, $0x1  }
0xde: {  	v3 =	vand.u32 $0x7, v3;
	v4 =	vand.u32 $0xFFFFFFF0, v50  }
0xdf: {  	v3 =	vor.u32 v3, v4  }
0xe0: {  	v4 =	vperm.xlane v3, v0;
	_ =	sdelay $0x1  }
0xe1: {  	v3 =	vperm.xlane v3, v2;
	v4 =	vadd.s32 v1, v4;
	_ =	sdelay $0x1  }
0xe2: {  	v3 =	vadd.s32 v1, v3;
	_ =	sdelay $0x2  }
0xe3: {  	[tilespmem:s21], [sflag:$0x1] =	stream.indirect_vreg.gather [hbm4b:s3+s2], $0x80, v4, vm0, $0xb8;
	[tilespmem:$0x10200] =	vst v63  }
0xe4: {  	_ = 	snop  }
0xe5: {  	[tilespmem:s22], [sflag:$0x1] =	stream.indirect_vreg.gather [hbm4b:s3+s2], $0x80, v3, vm0, $0xb8;
	[tilespmem:$0x10200] =	vst v63  }
0xe6: {  	v3 =	vld [tilespmem:$0x130];
	_ =	sdelay $0x4  }
0xe7: {  	v51 =	vshll.u32 v3, $0x1  }
0xe8: {  	v3 =	vand.u32 $0x7, v3;
	v4 =	vand.u32 $0xFFFFFFF0, v51  }
0xe9: {  	v3 =	vor.u32 v3, v4  }
0xea: {  	v4 =	vperm.xlane v3, v0;
	_ =	sdelay $0x1  }
0xeb: {  	v3 =	vperm.xlane v3, v2;
	v4 =	vadd.s32 v1, v4;
	_ =	sdelay $0x1  }
0xec: {  	v3 =	vadd.s32 v1, v3;
	_ =	sdelay $0x2  }
0xed: {  	[tilespmem:s25], [sflag:$0x1] =	stream.indirect_vreg.gather [hbm4b:s3+s2], $0x80, v4, vm0, $0xb8;
	[tilespmem:$0x10200] =	vst v63  }
0xee: {  	_ = 	snop  }
0xef: {  	[tilespmem:s26], [sflag:$0x1] =	stream.indirect_vreg.gather [hbm4b:s3+s2], $0x80, v3, vm0, $0xb8;
	[tilespmem:$0x10200] =	vst v63  }
0xf0: {  	v3 =	vld [tilespmem:$0x140];
	_ =	sdelay $0x4  }
0xf1: {  	v52 =	vshll.u32 v3, $0x1  }
0xf2: {  	v3 =	vand.u32 $0x7, v3;
	v4 =	vand.u32 $0xFFFFFFF0, v52  }
0xf3: {  	v3 =	vor.u32 v3, v4  }
0xf4: {  	v4 =	vperm.xlane v3, v0;
	_ =	sdelay $0x1  }
0xf5: {  	v3 =	vperm.xlane v3, v2;
	v4 =	vadd.s32 v1, v4;
	_ =	sdelay $0x1  }
0xf6: {  	v3 =	vadd.s32 v1, v3;
	_ =	sdelay $0x2  }
0xf7: {  	[tilespmem:s28], [sflag:$0x1] =	stream.indirect_vreg.gather [hbm4b:s3+s2], $0x80, v4, vm0, $0xb8;
	[tilespmem:$0x10200] =	vst v63  }
0xf8: {  	_ = 	snop  }
0xf9: {  	[tilespmem:s29], [sflag:$0x1] =	stream.indirect_vreg.gather [hbm4b:s3+s2], $0x80, v3, vm0, $0xb8;
	[tilespmem:$0x10200] =	vst v63  }
0xfa: {  	v3 =	vld [tilespmem:$0x150];
	_ =	sdelay $0x4  }
0xfb: {  	v53 =	vshll.u32 v3, $0x1  }
0xfc: {  	v3 =	vand.u32 $0x7, v3;
	v4 =	vand.u32 $0xFFFFFFF0, v53  }
0xfd: {  	v3 =	vor.u32 v3, v4  }
0xfe: {  	v4 =	vperm.xlane v3, v0;
	_ =	sdelay $0x1  }
0xff: {  	v3 =	vperm.xlane v3, v2;
	v4 =	vadd.s32 v1, v4;
	_ =	sdelay $0x1  }
0x100: {  	v3 =	vadd.s32 v1, v3;
	_ =	sdelay $0x2  }
0x101: {  	[tilespmem:s30], [sflag:$0x1] =	stream.indirect_vreg.gather [hbm4b:s3+s2], $0x80, v4, vm0, $0xb8;
	[tilespmem:$0x10200] =	vst v63  }
0x102: {  	_ = 	snop  }
0x103: {  	[tilespmem:s31], [sflag:$0x1] =	stream.indirect_vreg.gather [hbm4b:s3+s2], $0x80, v3, vm0, $0xb8;
	[tilespmem:$0x10200] =	vst v63  }
0x104: {  	v3 =	vld [tilespmem:$0x160];
	_ =	sdelay $0x4  }
0x105: {  	v54 =	vshll.u32 v3, $0x1  }
0x106: {  	v3 =	vand.u32 $0x7, v3;
	v4 =	vand.u32 $0xFFFFFFF0, v54  }
0x107: {  	v3 =	vor.u32 v3, v4  }
0x108: {  	v4 =	vperm.xlane v3, v0;
	_ =	sdelay $0x1  }
0x109: {  	v3 =	vperm.xlane v3, v2;
	v4 =	vadd.s32 v1, v4;
	_ =	sdelay $0x1  }
0x10a: {  	v3 =	vadd.s32 v1, v3;
	_ =	sdelay $0x2  }
0x10b: {  	[tilespmem:s1], [sflag:$0x1] =	stream.indirect_vreg.gather [hbm4b:s3+s2], $0x80, v4, vm0, $0xb8;
	[tilespmem:$0x10200] =	vst v63  }
0x10c: {  	_ = 	snop  }
0x10d: {  	[tilespmem:s4], [sflag:$0x1] =	stream.indirect_vreg.gather [hbm4b:s3+s2], $0x80, v3, vm0, $0xb8;
	[tilespmem:$0x10200] =	vst v63  }
0x10e: {  	v3 =	vld [tilespmem:$0x170];
	_ =	sdelay $0x4  }
0x10f: {  	v55 =	vshll.u32 v3, $0x1  }
0x110: {  	v3 =	vand.u32 $0x7, v3;
	v4 =	vand.u32 $0xFFFFFFF0, v55  }
0x111: {  	v3 =	vor.u32 v3, v4  }
0x112: {  	v4 =	vperm.xlane v3, v0;
	_ =	sdelay $0x1  }
0x113: {  	v3 =	vperm.xlane v3, v2;
	v4 =	vadd.s32 v1, v4;
	_ =	sdelay $0x1  }
0x114: {  	v3 =	vadd.s32 v1, v3;
	_ =	sdelay $0x2  }
0x115: {  	[tilespmem:s8], [sflag:$0x1] =	stream.indirect_vreg.gather [hbm4b:s3+s2], $0x80, v4, vm0, $0xb8;
	[tilespmem:$0x10200] =	vst v63  }
0x116: {  	_ = 	snop  }
0x117: {  	[tilespmem:s9], [sflag:$0x1] =	stream.indirect_vreg.gather [hbm4b:s3+s2], $0x80, v3, vm0, $0xb8;
	[tilespmem:$0x10200] =	vst v63  }
0x118: {  	s18 =	rddreg [dreg:$0x4]  }
0x119: {  	[hbm4b:s18+s2] =	stream.linear.scatter [tilespmem:s23], [sflag:$0x4], $0x8000, $0x38;
	[tilespmem:$0x10200] =	vst v63  }
0x11a: {  	_ =	swait.ge [sflag:s0], $0x8000  }
0x11b: {  	[sflag:s0] =	ssyncset.done $0x0  }
0x11c: {  	[sflag:s0] =	ssyncadd.s32 $0xFFFF8000  }
0x11d: {  	_ =	swait.ge [sflag:s17], $0x8000  }
0x11e: {  	[sflag:s17] =	ssyncset.done $0x0  }
0x11f: {  	[sflag:s17] =	ssyncadd.s32 $0xFFFF8000  }
0x120: {  	v3 =	vld [tilespmem:$0x180];
	_ =	sdelay $0x4  }
0x121: {  	v56 =	vshll.u32 v3, $0x1  }
0x122: {  	v3 =	vand.u32 $0x7, v3;
	v4 =	vand.u32 $0xFFFFFFF0, v56  }
0x123: {  	v3 =	vor.u32 v3, v4  }
0x124: {  	v4 =	vperm.xlane v3, v0;
	_ =	sdelay $0x1  }
0x125: {  	v3 =	vperm.xlane v3, v2;
	v4 =	vadd.s32 v1, v4;
	_ =	sdelay $0x1  }
0x126: {  	v3 =	vadd.s32 v1, v3;
	_ =	sdelay $0x2  }
0x127: {  	[tilespmem:s23], [sflag:$0x2] =	stream.indirect_vreg.gather [hbm4b:s3+s2], $0x80, v4, vm0, $0xb8;
	[tilespmem:$0x10200] =	vst v63  }
0x128: {  	_ = 	snop  }
0x129: {  	[tilespmem:s10], [sflag:$0x2] =	stream.indirect_vreg.gather [hbm4b:s3+s2], $0x80, v3, vm0, $0xb8;
	[tilespmem:$0x10200] =	vst v63  }
0x12a: {  	v3 =	vld [tilespmem:$0x190];
	_ =	sdelay $0x4  }
0x12b: {  	v57 =	vshll.u32 v3, $0x1  }
0x12c: {  	v3 =	vand.u32 $0x7, v3;
	v4 =	vand.u32 $0xFFFFFFF0, v57  }
0x12d: {  	v3 =	vor.u32 v3, v4  }
0x12e: {  	v4 =	vperm.xlane v3, v0;
	_ =	sdelay $0x1  }
0x12f: {  	v3 =	vperm.xlane v3, v2;
	v4 =	vadd.s32 v1, v4;
	_ =	sdelay $0x1  }
0x130: {  	v3 =	vadd.s32 v1, v3;
	_ =	sdelay $0x2  }
0x131: {  	[tilespmem:s11], [sflag:$0x2] =	stream.indirect_vreg.gather [hbm4b:s3+s2], $0x80, v4, vm0, $0xb8;
	[tilespmem:$0x10200] =	vst v63  }
0x132: {  	s18 =	simm.s32 $0x9A00  }
0x133: {  	[tilespmem:s18], [sflag:$0x2] =	stream.indirect_vreg.gather [hbm4b:s3+s2], $0x80, v3, vm0, $0xb8;
	[tilespmem:$0x10200] =	vst v63  }
0x134: {  	v3 =	vld [tilespmem:$0x1A0];
	_ =	sdelay $0x4  }
0x135: {  	v58 =	vshll.u32 v3, $0x1  }
0x136: {  	v3 =	vand.u32 $0x7, v3;
	v4 =	vand.u32 $0xFFFFFFF0, v58  }
0x137: {  	v3 =	vor.u32 v3, v4  }
0x138: {  	v4 =	vperm.xlane v3, v0;
	_ =	sdelay $0x1  }
0x139: {  	v3 =	vperm.xlane v3, v2;
	v4 =	vadd.s32 v1, v4;
	_ =	sdelay $0x1  }
0x13a: {  	v3 =	vadd.s32 v1, v3;
	_ =	sdelay $0x2  }
0x13b: {  	[tilespmem:s13], [sflag:$0x2] =	stream.indirect_vreg.gather [hbm4b:s3+s2], $0x80, v4, vm0, $0xb8;
	[tilespmem:$0x10200] =	vst v63  }
0x13c: {  	_ = 	snop  }
0x13d: {  	[tilespmem:s14], [sflag:$0x2] =	stream.indirect_vreg.gather [hbm4b:s3+s2], $0x80, v3, vm0, $0xb8;
	[tilespmem:$0x10200] =	vst v63  }
0x13e: {  	v3 =	vld [tilespmem:$0x1B0];
	_ =	sdelay $0x4  }
0x13f: {  	v59 =	vshll.u32 v3, $0x1  }
0x140: {  	v3 =	vand.u32 $0x7, v3;
	v4 =	vand.u32 $0xFFFFFFF0, v59  }
0x141: {  	v3 =	vor.u32 v3, v4  }
0x142: {  	v4 =	vperm.xlane v3, v0;
	_ =	sdelay $0x1  }
0x143: {  	v3 =	vperm.xlane v3, v2;
	v4 =	vadd.s32 v1, v4;
	_ =	sdelay $0x1  }
0x144: {  	v3 =	vadd.s32 v1, v3;
	_ =	sdelay $0x1  }
0x145: {  	s18 =	simm.s32 $0xB200  }
0x146: {  	[tilespmem:s18], [sflag:$0x2] =	stream.indirect_vreg.gather [hbm4b:s3+s2], $0x80, v4, vm0, $0xb8;
	[tilespmem:$0x10200] =	vst v63  }
0x147: {  	_ = 	snop  }
0x148: {  	[tilespmem:s7], [sflag:$0x2] =	stream.indirect_vreg.gather [hbm4b:s3+s2], $0x80, v3, vm0, $0xb8;
	[tilespmem:$0x10200] =	vst v63  }
0x149: {  	v3 =	vld [tilespmem:$0x1C0];
	_ =	sdelay $0x4  }
0x14a: {  	v60 =	vshll.u32 v3, $0x1  }
0x14b: {  	v3 =	vand.u32 $0x7, v3;
	v4 =	vand.u32 $0xFFFFFFF0, v60  }
0x14c: {  	v3 =	vor.u32 v3, v4  }
0x14d: {  	v4 =	vperm.xlane v3, v0;
	_ =	sdelay $0x1  }
0x14e: {  	v3 =	vperm.xlane v3, v2;
	v4 =	vadd.s32 v1, v4;
	_ =	sdelay $0x1  }
0x14f: {  	v3 =	vadd.s32 v1, v3;
	_ =	sdelay $0x2  }
0x150: {  	[tilespmem:s24], [sflag:$0x2] =	stream.indirect_vreg.gather [hbm4b:s3+s2], $0x80, v4, vm0, $0xb8;
	[tilespmem:$0x10200] =	vst v63  }
0x151: {  	s7 =	simm.s32 $0xCA00  }
0x152: {  	[tilespmem:s7], [sflag:$0x2] =	stream.indirect_vreg.gather [hbm4b:s3+s2], $0x80, v3, vm0, $0xb8;
	[tilespmem:$0x10200] =	vst v63  }
0x153: {  	v3 =	vld [tilespmem:$0x1D0];
	_ =	sdelay $0x4  }
0x154: {  	v61 =	vshll.u32 v3, $0x1  }
0x155: {  	v3 =	vand.u32 $0x7, v3;
	v4 =	vand.u32 $0xFFFFFFF0, v61  }
0x156: {  	v3 =	vor.u32 v3, v4  }
0x157: {  	v4 =	vperm.xlane v3, v0;
	_ =	sdelay $0x1  }
0x158: {  	v3 =	vperm.xlane v3, v2;
	v4 =	vadd.s32 v1, v4;
	_ =	sdelay $0x1  }
0x159: {  	v3 =	vadd.s32 v1, v3;
	_ =	sdelay $0x1  }
0x15a: {  	s18 =	simm.s32 $0xD200  }
0x15b: {  	[tilespmem:s18], [sflag:$0x2] =	stream.indirect_vreg.gather [hbm4b:s3+s2], $0x80, v4, vm0, $0xb8;
	[tilespmem:$0x10200] =	vst v63  }
0x15c: {  	s7 =	simm.s32 $0xDA00  }
0x15d: {  	[tilespmem:s7], [sflag:$0x2] =	stream.indirect_vreg.gather [hbm4b:s3+s2], $0x80, v3, vm0, $0xb8;
	[tilespmem:$0x10200] =	vst v63  }
0x15e: {  	v3 =	vld [tilespmem:$0x1E0];
	_ =	sdelay $0x4  }
0x15f: {  	v62 =	vshll.u32 v3, $0x1  }
0x160: {  	v3 =	vand.u32 $0x7, v3;
	v4 =	vand.u32 $0xFFFFFFF0, v62  }
0x161: {  	v3 =	vor.u32 v3, v4  }
0x162: {  	v4 =	vperm.xlane v3, v0;
	_ =	sdelay $0x1  }
0x163: {  	v3 =	vperm.xlane v3, v2;
	v4 =	vadd.s32 v1, v4;
	_ =	sdelay $0x1  }
0x164: {  	v3 =	vadd.s32 v1, v3;
	_ =	sdelay $0x1  }
0x165: {  	s18 =	simm.s32 $0xE200  }
0x166: {  	[tilespmem:s18], [sflag:$0x2] =	stream.indirect_vreg.gather [hbm4b:s3+s2], $0x80, v4, vm0, $0xb8;
	[tilespmem:$0x10200] =	vst v63  }
0x167: {  	s7 =	simm.s32 $0xEA00  }
0x168: {  	[tilespmem:s7], [sflag:$0x2] =	stream.indirect_vreg.gather [hbm4b:s3+s2], $0x80, v3, vm0, $0xb8;
	[tilespmem:$0x10200] =	vst v63  }
0x169: {  	v3 =	vld [tilespmem:$0x1F0];
	_ =	sdelay $0x4  }
0x16a: {  	v63 =	vshll.u32 v3, $0x1  }
0x16b: {  	v3 =	vand.u32 $0x7, v3;
	v4 =	vand.u32 $0xFFFFFFF0, v63  }
0x16c: {  	v3 =	vor.u32 v3, v4  }
0x16d: {  	v4 =	vperm.xlane v3, v0;
	_ =	sdelay $0x1  }
0x16e: {  	v3 =	vperm.xlane v3, v2;
	v4 =	vadd.s32 v1, v4;
	_ =	sdelay $0x1  }
0x16f: {  	v3 =	vadd.s32 v1, v3;
	_ =	sdelay $0x1  }
0x170: {  	s18 =	simm.s32 $0xF200  }
0x171: {  	[tilespmem:s18], [sflag:$0x2] =	stream.indirect_vreg.gather [hbm4b:s3+s2], $0x80, v4, vm0, $0xb8;
	[tilespmem:$0x10200] =	vst v63  }
0x172: {  	s7 =	simm.s32 $0xFA00  }
0x173: {  	[tilespmem:s7], [sflag:$0x2] =	stream.indirect_vreg.gather [hbm4b:s3+s2], $0x80, v3, vm0, $0xb8;
	[tilespmem:$0x10200] =	vst v63  }
0x174: {  	s12 =	simm.s32 $0x200;
	s18 =	rddreg [dreg:$0x5]  }
0x175: {  	[hbm4b:s18+s2] =	stream.linear.scatter [tilespmem:s12], [sflag:$0x3], $0x8000, $0x38;
	[tilespmem:$0x10200] =	vst v63  }
0x176: {  	_ =	swait.ge [sflag:s6], $0x8000  }
0x177: {  	[sflag:s6] =	ssyncset.done $0x0  }
0x178: {  	s12 =	rddreg [dreg:$0x6];
	[sflag:s6] =	ssyncadd.s32 $0xFFFF8000  }
0x179: {  	[hbm4b:s12+s2] =	stream.linear.scatter [tilespmem:s23], [sflag:$0x4], $0x8000, $0x38;
	[tilespmem:$0x10200] =	vst v63  }
0x17a: {  	p0 =	sne.s32 s5, $0x1;
	_ =	swait.ge [sflag:s16], $0x8000  }
.Ltmp0:
0x17b: {  	[sflag:s16] =	ssyncset.done $0x0;
	(pc) =	sbr.rel @p0 .LBB2_1-.Ltmp0, $4  }
0x17c: {  	[sflag:s16] =	ssyncadd.s32 $0xFFFF8000  }
0x17d: {  	_ =	swait.ge [sflag:s17], $0x8000  }
0x17e: {  	[sflag:s17] =	ssyncset.done $0x0  }
0x17f: {  	s5 =	sadd.s32 $0xFFFFFFFF, s5;
	[sflag:s17] =	ssyncadd.s32 $0xFFFF8000  }
0x180: {  	_ =	sfence.sel $0x180000  }
0x181: {  	[bflag:$0x0] =	sbarrier.arrive $0xFFFF  }
0x182: {  	_ =	strace $0x90000047  }
0x183: {  	s0 =	stileid.u32;
	[bflag:$0x2] =	sbarrier.arrive $0xFFFF  }
0x184: {  	p0 =	sne.s32 s0, $0x0;
	s0 =	rddreg [dreg:$0x2]  }
0x185: {  	s0 =	sadd.s32 @!p0 $0x100000, s0  }
0x186: {  	[sflag:s0] =	ssyncadd.tile.s32 @!p0 $0x1;
	_ =	shalt  }
.Lfunc_end2:
_tile_overlayer_lowered:
.L_overlay_start_2:
0x187: {  	(tag) =	ssettag $0x2  }
0x188: {  	s0 =	rddreg [dreg:$0x0];
	s2 =	stileid.u32  }
0x189: {  	s1 =	rddreg [dreg:$0x1];
	p0 =	sne.s32 s2, $0x0  }
0x18a: {  	s3 =	rddreg [dreg:$0x2];
	[bflag:$0x3] =	sbarrier.arrive $0xFFFF;
	s2 =	simm.s32 @!p0 $0x1C05  }
0x18b: {  	[timem:s3], [sflag:s2] =	dma.local @!p0 [hbm:s0], s1  }
0x18c: {  	s0 =	simm.s32 @!p0 $0x5  }
0x18d: {  	_ =	swait.ge @!p0 [sflag:s0], s1  }
0x18e: {  	s1 =	ssub.s32 @!p0 $0x0, s1;
	[sflag:s0] =	ssyncset.done @!p0 $0x0  }
0x18f: {  	[sflag:s0] =	ssyncadd.s32 @!p0 s1  }
0x190: {  	[bflag:$0x3] =	sbarrier.arrive $0xFFFF  }
0x191: {  	_ =	shalt  }

</sc_bundles>
